<compile_context>
chip_gen: v7x
topology: tpu7x:2x2x1
jax: 0.10.2.dev20260603
libtpu: 0.0.44.dev20260713+nightly
codegen_flags: <defaults>
</compile_context>

<pallas_src>
import functools

import jax
import jax.numpy as jnp
from jax import lax
from jax.experimental import pallas as pl
from jax.experimental.pallas import tpu as pltpu
from jax.experimental.pallas import tpu_sc as plsc

_NUM_ROWS = 16384
_NUM_COLS = 100
_D = 32
_T128_ROWS = 250_000
_NC = 2
_NS = 16
_NW = _NC * _NS
_IPW = _NUM_ROWS // _NW
_SUB = 128
_NSUB = _IPW // _SUB
_NH = _NUM_COLS * _NSUB
_NB = _SUB // 16


def _make_emb_kernel():
  mesh = plsc.VectorSubcoreMesh(core_axis_name="c", subcore_axis_name="s")

  @functools.partial(
      pl.kernel,
      out_type=jax.ShapeDtypeStruct((_NUM_COLS, _D, _NUM_ROWS), jnp.float32),
      mesh=mesh,
      scratch_types=[
          pltpu.VMEM((2 * _IPW,), jnp.int32),
          pltpu.VMEM((2 * _IPW,), jnp.int32),
          pltpu.VMEM((2 * _IPW,), jnp.int32),
          pltpu.VMEM((2 * _SUB, 128), jnp.float32),
          pltpu.VMEM((2 * _D, 128), jnp.float32),
          pltpu.SemaphoreType.DMA((2,)),
          pltpu.SemaphoreType.DMA((2,)),
          pltpu.SemaphoreType.DMA((2,)),
      ],
      compiler_params=pltpu.CompilerParams(use_tc_tiling_on_sc=True,
                                           needs_layout_passes=False),
  )
  def emb(idxt_hbm, t128_hbm, out_hbm, idxc_v, idx4_v, g_v, rows_v, stage_v,
          sem_i, sem_g, sem_o):
    wid = lax.axis_index("s") * _NC + lax.axis_index("c")
    i0 = wid * _IPW
    lane = lax.iota(jnp.int32, 16)

    def idx_copy(j):
      jr = lax.rem(j, 2)
      return pltpu.make_async_copy(
          idxt_hbm.at[j, pl.ds(i0, _IPW)],
          idxc_v.at[pl.ds(jr * _IPW, _IPW)], sem_i.at[jr])

    def prep(j):
      off = lax.rem(j, 2) * _IPW

      @plsc.parallel_loop(0, _IPW // 16, unroll=8)
      def _body(v):
        x = idxc_v[pl.ds(off + v * 16, 16)]
        idx4_v[pl.ds(off + v * 16, 16)] = lax.shift_right_logical(x, 2)
        g_v[pl.ds(off + v * 16, 16)] = lax.bitwise_and(x, 3)

    def gather_copy(h):
      sl = lax.rem(h, 2)
      ioff = lax.rem(lax.div(h, _NSUB), 2) * _IPW + lax.rem(h, _NSUB) * _SUB
      return pltpu.make_async_copy(
          t128_hbm.at[idx4_v.at[pl.ds(ioff, _SUB)]],
          rows_v.at[pl.ds(sl * _SUB, _SUB)], sem_g.at[sl])

    def write_copy(h):
      sl = lax.rem(h, 2)
      return pltpu.make_async_copy(
          stage_v.at[pl.ds(sl * _D, _D), :],
          out_hbm.at[lax.div(h, _NSUB), :,
                     pl.ds(i0 + lax.rem(h, _NSUB) * _SUB, _SUB)],
          sem_o.at[sl])

    def select(h):
      sl = lax.rem(h, 2)
      goff = lax.rem(lax.div(h, _NSUB), 2) * _IPW + lax.rem(h, _NSUB) * _SUB
      rows16 = [sl * _SUB + b * 16 + lane for b in range(_NB)]
      cols32 = [g_v[pl.ds(goff + b * 16, 16)] * 32 for b in range(_NB)]

      @plsc.parallel_loop(0, _D, unroll=2)
      def _body(f):
        fv = jnp.full((16,), f, dtype=jnp.int32)
        for b in range(_NB):
          stage_v[sl * _D + f, pl.ds(b * 16, 16)] = plsc.load_gather(
              rows_v, [rows16[b], cols32[b] + fv])

    idx_copy(0).start()
    idx_copy(0).wait()
    prep(0)
    idx_copy(1).start()
    gather_copy(0).start()

    def step(h, carry):
      @pl.when(jnp.logical_and(h + 1 < _NH, lax.rem(h, _NSUB) == _NSUB - 1))
      def _():
        j2 = lax.div(h + 1, _NSUB)
        idx_copy(j2).wait()
        prep(j2)

        @pl.when(j2 + 1 < _NUM_COLS)
        def _():
          idx_copy(j2 + 1).start()

      @pl.when(h + 1 < _NH)
      def _():
        gather_copy(h + 1).start()

      gather_copy(h).wait()

      @pl.when(h >= 2)
      def _():
        write_copy(h - 2).wait()

      select(h)
      write_copy(h).start()
      return carry

    lax.fori_loop(0, _NH, step, 0)

    write_copy(_NH - 2).wait()
    write_copy(_NH - 1).wait()

  return emb


_emb = _make_emb_kernel()


@jax.jit
def kernel(group_indices, embedding):
  idxt = group_indices.T
  t128 = embedding.reshape(_T128_ROWS, 128)
  res = _emb(idxt, t128)
  return jnp.transpose(res, (2, 0, 1))

# --- scband reference (transcript-rebuilt; emitter-appended) ---
"""Pipeline reference for scband-functional-group-embedding-84920093377279 (READ-ONLY COPY).

The authoritative reference and input builder live on the scoring server;
editing this copy changes nothing except your own understanding.
"""

import jax, jax.numpy as jnp
import numpy as np

NUM_GROUPS = 1000000
FEATURES_DIM = 32

def setup_inputs(seed: int = 0) -> dict:
    key = jax.random.key(seed)
    k_idx, k_emb = jax.random.split(key)
    group_indices = jax.random.randint(k_idx, (16384, 100), 0, NUM_GROUPS, dtype=jnp.int64 if jax.config.jax_enable_x64 else jnp.int32)
    # xavier_uniform init: bound = sqrt(6 / (fan_in + fan_out))
    bound = float(np.sqrt(6.0 / (NUM_GROUPS + FEATURES_DIM)))
    embedding = jax.random.uniform(k_emb, (NUM_GROUPS, FEATURES_DIM), dtype=jnp.float32, minval=-bound, maxval=bound)
    return {"group_indices": group_indices, "embedding": embedding}

def reference(group_indices, embedding):
    # F.embedding(group_indices, self.embedding) -> gather rows
    return jnp.take(embedding, group_indices, axis=0)

if __name__ == "__main__":
    import jax
    _d = setup_inputs()
    print(jax.jit(kernel)(*tuple(_d.values())))

</pallas_src>

<mosaic_0001>
#map = affine_map<(d0, d1) -> (0, 0)>
#map1 = affine_map<(d0, d1) -> (0, 0, 0)>
module attributes {stable_mosaic.version = 14 : i64} {
  func.func @emb(%arg0: i32, %arg1: i32, %arg2: memref<100x16384xi32, #tpu.memory_space<hbm>>, %arg3: memref<250000x128xf32, #tpu.memory_space<hbm>>, %arg4: memref<100x32x16384xf32, #tpu.memory_space<hbm>>, %arg5: memref<1024xi32, #tpu.memory_space<vmem>>, %arg6: memref<1024xi32, #tpu.memory_space<vmem>>, %arg7: memref<1024xi32, #tpu.memory_space<vmem>>, %arg8: memref<256x128xf32, #tpu.memory_space<vmem>>, %arg9: memref<64x128xf32, #tpu.memory_space<vmem>>, %arg10: memref<2x!tpu.dma_semaphore, #tpu.memory_space<semaphore_mem>>, %arg11: memref<2x!tpu.dma_semaphore, #tpu.memory_space<semaphore_mem>>, %arg12: memref<2x!tpu.dma_semaphore, #tpu.memory_space<semaphore_mem>>) attributes {dimension_semantics = [#tpu.dimension_semantics<core_parallel>, #tpu.dimension_semantics<subcore_parallel>], iteration_bounds = array<i64: 2, 16>, scalar_prefetch = 0 : i64, scratch_operands = 8 : i64, tpu.core_type = #tpu.core_type<sc_vector_subcore>, window_params = [{transform_indices = #map}, {transform_indices = #map}, {transform_indices = #map1}]} {
    %mul3A = arith.constant 2 : i32
    %mul3A_0 = arith.muli %arg1, %mul3A : i32
    %add3A = arith.addi %mul3A_0, %arg0 : i32
    %mul3A_1 = arith.constant 512 : i32
    %mul3A_2 = arith.muli %add3A, %mul3A_1 : i32
    %iota3A = tpu.iota {dimensions = array<i32: 0>} : vector<16xi32>
    %rem3A = arith.constant 0 : i32
    %rem3A_3 = arith.constant 2 : i32
    %rem3A_4 = arith.remsi %rem3A, %rem3A_3 : i32
    %mul3A_5 = arith.constant 512 : i32
    %mul3A_6 = arith.muli %rem3A_4, %mul3A_5 : i32
    %dma_start3A = arith.constant 0 : i32
    %dma_start3A_7 = tpu.memref_slice %arg5[%mul3A_6] : memref<1024xi32, #tpu.memory_space<vmem>> -> memref<512xi32, #tpu.memory_space<vmem>>
    %dma_start3A_8 = tpu.memref_slice %arg2[%dma_start3A, %mul3A_2] : memref<100x16384xi32, #tpu.memory_space<hbm>> -> memref<1x512xi32, #tpu.memory_space<hbm>>
    %dma_start3A_9 = tpu.memref_squeeze %dma_start3A_8 : memref<1x512xi32, #tpu.memory_space<hbm>> -> memref<512xi32, #tpu.memory_space<hbm>>
    %dma_start3A_10 = tpu.memref_slice %arg10[%rem3A_4] : memref<2x!tpu.dma_semaphore, #tpu.memory_space<semaphore_mem>> -> memref<1x!tpu.dma_semaphore, #tpu.memory_space<semaphore_mem>>
    %dma_start3A_11 = tpu.memref_squeeze %dma_start3A_10 : memref<1x!tpu.dma_semaphore, #tpu.memory_space<semaphore_mem>> -> memref<!tpu.dma_semaphore, #tpu.memory_space<semaphore_mem>>
    %dma_start3A_12 = tpu.memref_slice %arg5[%mul3A_6] : memref<1024xi32, #tpu.memory_space<vmem>> -> memref<512xi32, #tpu.memory_space<vmem>>
    %dma_start3A_13 = tpu.memref_slice %arg2[%dma_start3A, %mul3A_2] : memref<100x16384xi32, #tpu.memory_space<hbm>> -> memref<1x512xi32, #tpu.memory_space<hbm>>
    %dma_start3A_14 = tpu.memref_squeeze %dma_start3A_13 : memref<1x512xi32, #tpu.memory_space<hbm>> -> memref<512xi32, #tpu.memory_space<hbm>>
    tpu.enqueue_dma source(%dma_start3A_14 : memref<512xi32, #tpu.memory_space<hbm>>) target(%dma_start3A_12 : memref<512xi32, #tpu.memory_space<vmem>>) target_semaphore(%dma_start3A_11 : memref<!tpu.dma_semaphore, #tpu.memory_space<semaphore_mem>>)
    %rem3A_15 = arith.constant 0 : i32
    %rem3A_16 = arith.constant 2 : i32
    %rem3A_17 = arith.remsi %rem3A_15, %rem3A_16 : i32
    %mul3A_18 = arith.constant 512 : i32
    %mul3A_19 = arith.muli %rem3A_17, %mul3A_18 : i32
    %dma_wait3A = arith.constant 0 : i32
    %dma_wait3A_20 = tpu.memref_slice %arg5[%mul3A_19] : memref<1024xi32, #tpu.memory_space<vmem>> -> memref<512xi32, #tpu.memory_space<vmem>>
    %dma_wait3A_21 = tpu.memref_slice %arg2[%dma_wait3A, %mul3A_2] : memref<100x16384xi32, #tpu.memory_space<hbm>> -> memref<1x512xi32, #tpu.memory_space<hbm>>
    %dma_wait3A_22 = tpu.memref_squeeze %dma_wait3A_21 : memref<1x512xi32, #tpu.memory_space<hbm>> -> memref<512xi32, #tpu.memory_space<hbm>>
    %dma_wait3A_23 = tpu.memref_slice %arg10[%rem3A_17] : memref<2x!tpu.dma_semaphore, #tpu.memory_space<semaphore_mem>> -> memref<1x!tpu.dma_semaphore, #tpu.memory_space<semaphore_mem>>
    %dma_wait3A_24 = tpu.memref_squeeze %dma_wait3A_23 : memref<1x!tpu.dma_semaphore, #tpu.memory_space<semaphore_mem>> -> memref<!tpu.dma_semaphore, #tpu.memory_space<semaphore_mem>>
    %dma_wait3A_25 = tpu.memref_slice %arg5[%mul3A_19] : memref<1024xi32, #tpu.memory_space<vmem>> -> memref<512xi32, #tpu.memory_space<vmem>>
    %dma_wait3A_26 = tpu.memref_slice %arg2[%dma_wait3A, %mul3A_2] : memref<100x16384xi32, #tpu.memory_space<hbm>> -> memref<1x512xi32, #tpu.memory_space<hbm>>
    %dma_wait3A_27 = tpu.memref_squeeze %dma_wait3A_26 : memref<1x512xi32, #tpu.memory_space<hbm>> -> memref<512xi32, #tpu.memory_space<hbm>>
    tpu.wait_dma2 semaphore(%dma_wait3A_24 : memref<!tpu.dma_semaphore, #tpu.memory_space<semaphore_mem>>) src(%dma_wait3A_27 : memref<512xi32, #tpu.memory_space<hbm>>) dst(%dma_wait3A_25 : memref<512xi32, #tpu.memory_space<vmem>>)
    %rem3A_28 = arith.constant 0 : i32
    %rem3A_29 = arith.constant 2 : i32
    %rem3A_30 = arith.remsi %rem3A_28, %rem3A_29 : i32
    %mul3A_31 = arith.constant 512 : i32
    %mul3A_32 = arith.muli %rem3A_30, %mul3A_31 : i32
    %parallel_loop3A = arith.constant 0 : i32
    %parallel_loop3A_33 = arith.constant 32 : i32
    %parallel_loop3A_34 = arith.constant 1 : i32
    scf.for %parallel_loop3A_131 = %parallel_loop3A to %parallel_loop3A_33 step %parallel_loop3A_34  : i32 {
      %parallel_loop3A_132 = arith.constant 16 : i32
      %parallel_loop3A_133 = arith.muli %parallel_loop3A_131, %parallel_loop3A_132 : i32
      %parallel_loop3A_134 = arith.addi %mul3A_32, %parallel_loop3A_133 : i32
      %parallel_loop3A_135 = arith.index_cast %parallel_loop3A_134 : i32 to index
      %parallel_loop3A_136 = tpu.vector_load %arg5[%parallel_loop3A_135] {strides = array<i32>} : memref<1024xi32, #tpu.memory_space<vmem>>, vector<16xi32>,
      %parallel_loop3A_137 = arith.constant 2 : i32
      %parallel_loop3A_138 = vector.broadcast %parallel_loop3A_137 : i32 to vector<16xi32>
      %parallel_loop3A_139 = arith.shrui %parallel_loop3A_136, %parallel_loop3A_138 : vector<16xi32>
      %parallel_loop3A_140 = arith.constant 16 : i32
      %parallel_loop3A_141 = arith.muli %parallel_loop3A_131, %parallel_loop3A_140 : i32
      %parallel_loop3A_142 = arith.addi %mul3A_32, %parallel_loop3A_141 : i32
      %parallel_loop3A_143 = arith.index_cast %parallel_loop3A_142 : i32 to index
      %parallel_loop3A_144 = tpu.vector_load %arg6[%parallel_loop3A_143] {strides = array<i32>} : memref<1024xi32, #tpu.memory_space<vmem>>, vector<16xi32>,
      tpu.vector_store %arg6[%parallel_loop3A_143], %parallel_loop3A_139 {strides = array<i32>} : memref<1024xi32, #tpu.memory_space<vmem>>, vector<16xi32>,
      %parallel_loop3A_145 = arith.constant 3 : i32
      %parallel_loop3A_146 = vector.broadcast %parallel_loop3A_145 : i32 to vector<16xi32>
      %parallel_loop3A_147 = arith.andi %parallel_loop3A_136, %parallel_loop3A_146 : vector<16xi32>
      %parallel_loop3A_148 = arith.constant 16 : i32
      %parallel_loop3A_149 = arith.muli %parallel_loop3A_131, %parallel_loop3A_148 : i32
      %parallel_loop3A_150 = arith.addi %mul3A_32, %parallel_loop3A_149 : i32
      %parallel_loop3A_151 = arith.index_cast %parallel_loop3A_150 : i32 to index
      %parallel_loop3A_152 = tpu.vector_load %arg7[%parallel_loop3A_151] {strides = array<i32>} : memref<1024xi32, #tpu.memory_space<vmem>>, vector<16xi32>,
      tpu.vector_store %arg7[%parallel_loop3A_151], %parallel_loop3A_147 {strides = array<i32>} : memref<1024xi32, #tpu.memory_space<vmem>>, vector<16xi32>,
    } {sc.loop_unroll_factor = 8 : i64, sc.parallel_access}
    %rem3A_35 = arith.constant 1 : i32
    %rem3A_36 = arith.constant 2 : i32
    %rem3A_37 = arith.remsi %rem3A_35, %rem3A_36 : i32
    %mul3A_38 = arith.constant 512 : i32
    %mul3A_39 = arith.muli %rem3A_37, %mul3A_38 : i32
    %dma_start3A_40 = arith.constant 1 : i32
    %dma_start3A_41 = tpu.memref_slice %arg5[%mul3A_39] : memref<1024xi32, #tpu.memory_space<vmem>> -> memref<512xi32, #tpu.memory_space<vmem>>
    %dma_start3A_42 = tpu.memref_slice %arg2[%dma_start3A_40, %mul3A_2] : memref<100x16384xi32, #tpu.memory_space<hbm>> -> memref<1x512xi32, #tpu.memory_space<hbm>>
    %dma_start3A_43 = tpu.memref_squeeze %dma_start3A_42 : memref<1x512xi32, #tpu.memory_space<hbm>> -> memref<512xi32, #tpu.memory_space<hbm>>
    %dma_start3A_44 = tpu.memref_slice %arg10[%rem3A_37] : memref<2x!tpu.dma_semaphore, #tpu.memory_space<semaphore_mem>> -> memref<1x!tpu.dma_semaphore, #tpu.memory_space<semaphore_mem>>
    %dma_start3A_45 = tpu.memref_squeeze %dma_start3A_44 : memref<1x!tpu.dma_semaphore, #tpu.memory_space<semaphore_mem>> -> memref<!tpu.dma_semaphore, #tpu.memory_space<semaphore_mem>>
    %dma_start3A_46 = tpu.memref_slice %arg5[%mul3A_39] : memref<1024xi32, #tpu.memory_space<vmem>> -> memref<512xi32, #tpu.memory_space<vmem>>
    %dma_start3A_47 = tpu.memref_slice %arg2[%dma_start3A_40, %mul3A_2] : memref<100x16384xi32, #tpu.memory_space<hbm>> -> memref<1x512xi32, #tpu.memory_space<hbm>>
    %dma_start3A_48 = tpu.memref_squeeze %dma_start3A_47 : memref<1x512xi32, #tpu.memory_space<hbm>> -> memref<512xi32, #tpu.memory_space<hbm>>
    tpu.enqueue_dma source(%dma_start3A_48 : memref<512xi32, #tpu.memory_space<hbm>>) target(%dma_start3A_46 : memref<512xi32, #tpu.memory_space<vmem>>) target_semaphore(%dma_start3A_45 : memref<!tpu.dma_semaphore, #tpu.memory_space<semaphore_mem>>)
    %rem3A_49 = arith.constant 0 : i32
    %rem3A_50 = arith.constant 2 : i32
    %rem3A_51 = arith.remsi %rem3A_49, %rem3A_50 : i32
    %div3A = arith.constant 0 : i32
    %div3A_52 = arith.constant 4 : i32
    %div3A_53 = arith.divsi %div3A, %div3A_52 : i32
    %rem3A_54 = arith.constant 2 : i32
    %rem3A_55 = arith.remsi %div3A_53, %rem3A_54 : i32
    %mul3A_56 = arith.constant 512 : i32
    %mul3A_57 = arith.muli %rem3A_55, %mul3A_56 : i32
    %rem3A_58 = arith.constant 0 : i32
    %rem3A_59 = arith.constant 4 : i32
    %rem3A_60 = arith.remsi %rem3A_58, %rem3A_59 : i32
    %mul3A_61 = arith.constant 128 : i32
    %mul3A_62 = arith.muli %rem3A_60, %mul3A_61 : i32
    %add3A_63 = arith.addi %mul3A_57, %mul3A_62 : i32
    %mul3A_64 = arith.constant 128 : i32
    %mul3A_65 = arith.muli %rem3A_51, %mul3A_64 : i32
    %dma_start3A_66 = arith.constant 0 : i32
    %dma_start3A_67 = tpu.memref_slice %arg8[%mul3A_65, %dma_start3A_66] : memref<256x128xf32, #tpu.memory_space<vmem>> -> memref<128x128xf32, #tpu.memory_space<vmem>>
    %dma_start3A_68 = tpu.memref_slice %arg6[%add3A_63] : memref<1024xi32, #tpu.memory_space<vmem>> -> memref<128xi32, #tpu.memory_space<vmem>>
    %dma_start3A_69 = arith.constant 0 : i32
    %dma_start3A_70 = arith.constant 0 : i32
    %dma_start3A_71 = tpu.memref_slice %arg3[%dma_start3A_69, %dma_start3A_70] : memref<250000x128xf32, #tpu.memory_space<hbm>> -> memref<250000x128xf32, #tpu.memory_space<hbm>>
    %dma_start3A_72 = tpu.memref_slice %arg11[%rem3A_51] : memref<2x!tpu.dma_semaphore, #tpu.memory_space<semaphore_mem>> -> memref<1x!tpu.dma_semaphore, #tpu.memory_space<semaphore_mem>>
    %dma_start3A_73 = tpu.memref_squeeze %dma_start3A_72 : memref<1x!tpu.dma_semaphore, #tpu.memory_space<semaphore_mem>> -> memref<!tpu.dma_semaphore, #tpu.memory_space<semaphore_mem>>
    tpu.enqueue_indirect_dma source(%dma_start3A_71 : memref<250000x128xf32, #tpu.memory_space<hbm>>) target(%dma_start3A_67 : memref<128x128xf32, #tpu.memory_space<vmem>>) offsets(%dma_start3A_68 : memref<128xi32, #tpu.memory_space<vmem>>) semaphore(%dma_start3A_73 : memref<!tpu.dma_semaphore, #tpu.memory_space<semaphore_mem>>)
    %scan3A = arith.constant 0 : i32
    %scan3A_74 = arith.constant 0 : i32
    %scan3A_75 = arith.constant 400 : i32
    %scan3A_76 = arith.addi %scan3A_74, %scan3A_75 : i32
    %scan3A_77 = arith.constant 1 : i32
    scf.for %scan3A_131 = %scan3A_74 to %scan3A_76 step %scan3A_77  : i32 {
      %add3A_132 = arith.constant 1 : i32
      %add3A_133 = arith.addi %scan3A_131, %add3A_132 : i32
      %lt3A = arith.constant 400 : i32
      %lt3A_134 = arith.cmpi slt, %add3A_133, %lt3A : i32
      %rem3A_135 = arith.constant 4 : i32
      %rem3A_136 = arith.remsi %scan3A_131, %rem3A_135 : i32
      %eq3A = arith.constant 3 : i32
      %eq3A_137 = arith.cmpi eq, %rem3A_136, %eq3A : i32
      %and3A = arith.andi %lt3A_134, %eq3A_137 : i1
      %convert_element_type3A = arith.extui %and3A : i1 to i32
      %cond3A = arith.constant 0 : i32
      %cond3A_138 = arith.cmpi ne, %convert_element_type3A, %cond3A : i32
      scf.if %cond3A_138 {
        %add3A_315 = arith.constant 1 : i32
        %add3A_316 = arith.addi %scan3A_131, %add3A_315 : i32
        %div3A_317 = arith.constant 4 : i32
        %div3A_318 = arith.divsi %add3A_316, %div3A_317 : i32
        %rem3A_319 = arith.constant 2 : i32
        %rem3A_320 = arith.remsi %div3A_318, %rem3A_319 : i32
        %mul3A_321 = arith.constant 512 : i32
        %mul3A_322 = arith.muli %rem3A_320, %mul3A_321 : i32
        %dma_wait3A_323 = tpu.memref_slice %arg5[%mul3A_322] : memref<1024xi32, #tpu.memory_space<vmem>> -> memref<512xi32, #tpu.memory_space<vmem>>
        %dma_wait3A_324 = tpu.memref_slice %arg2[%div3A_318, %mul3A_2] : memref<100x16384xi32, #tpu.memory_space<hbm>> -> memref<1x512xi32, #tpu.memory_space<hbm>>
        %dma_wait3A_325 = tpu.memref_squeeze %dma_wait3A_324 : memref<1x512xi32, #tpu.memory_space<hbm>> -> memref<512xi32, #tpu.memory_space<hbm>>
        %dma_wait3A_326 = tpu.memref_slice %arg10[%rem3A_320] : memref<2x!tpu.dma_semaphore, #tpu.memory_space<semaphore_mem>> -> memref<1x!tpu.dma_semaphore, #tpu.memory_space<semaphore_mem>>
        %dma_wait3A_327 = tpu.memref_squeeze %dma_wait3A_326 : memref<1x!tpu.dma_semaphore, #tpu.memory_space<semaphore_mem>> -> memref<!tpu.dma_semaphore, #tpu.memory_space<semaphore_mem>>
        %dma_wait3A_328 = tpu.memref_slice %arg5[%mul3A_322] : memref<1024xi32, #tpu.memory_space<vmem>> -> memref<512xi32, #tpu.memory_space<vmem>>
        %dma_wait3A_329 = tpu.memref_slice %arg2[%div3A_318, %mul3A_2] : memref<100x16384xi32, #tpu.memory_space<hbm>> -> memref<1x512xi32, #tpu.memory_space<hbm>>
        %dma_wait3A_330 = tpu.memref_squeeze %dma_wait3A_329 : memref<1x512xi32, #tpu.memory_space<hbm>> -> memref<512xi32, #tpu.memory_space<hbm>>
        tpu.wait_dma2 semaphore(%dma_wait3A_327 : memref<!tpu.dma_semaphore, #tpu.memory_space<semaphore_mem>>) src(%dma_wait3A_330 : memref<512xi32, #tpu.memory_space<hbm>>) dst(%dma_wait3A_328 : memref<512xi32, #tpu.memory_space<vmem>>)
        %rem3A_331 = arith.constant 2 : i32
        %rem3A_332 = arith.remsi %div3A_318, %rem3A_331 : i32
        %mul3A_333 = arith.constant 512 : i32
        %mul3A_334 = arith.muli %rem3A_332, %mul3A_333 : i32
        %parallel_loop3A_335 = arith.constant 0 : i32
        %parallel_loop3A_336 = arith.constant 32 : i32
        %parallel_loop3A_337 = arith.constant 1 : i32
        scf.for %parallel_loop3A_345 = %parallel_loop3A_335 to %parallel_loop3A_336 step %parallel_loop3A_337  : i32 {
          %parallel_loop3A_346 = arith.constant 16 : i32
          %parallel_loop3A_347 = arith.muli %parallel_loop3A_345, %parallel_loop3A_346 : i32
          %parallel_loop3A_348 = arith.addi %mul3A_334, %parallel_loop3A_347 : i32
          %parallel_loop3A_349 = arith.index_cast %parallel_loop3A_348 : i32 to index
          %parallel_loop3A_350 = tpu.vector_load %arg5[%parallel_loop3A_349] {strides = array<i32>} : memref<1024xi32, #tpu.memory_space<vmem>>, vector<16xi32>,
          %parallel_loop3A_351 = arith.constant 2 : i32
          %parallel_loop3A_352 = vector.broadcast %parallel_loop3A_351 : i32 to vector<16xi32>
          %parallel_loop3A_353 = arith.shrui %parallel_loop3A_350, %parallel_loop3A_352 : vector<16xi32>
          %parallel_loop3A_354 = arith.constant 16 : i32
          %parallel_loop3A_355 = arith.muli %parallel_loop3A_345, %parallel_loop3A_354 : i32
          %parallel_loop3A_356 = arith.addi %mul3A_334, %parallel_loop3A_355 : i32
          %parallel_loop3A_357 = arith.index_cast %parallel_loop3A_356 : i32 to index
          %parallel_loop3A_358 = tpu.vector_load %arg6[%parallel_loop3A_357] {strides = array<i32>} : memref<1024xi32, #tpu.memory_space<vmem>>, vector<16xi32>,
          tpu.vector_store %arg6[%parallel_loop3A_357], %parallel_loop3A_353 {strides = array<i32>} : memref<1024xi32, #tpu.memory_space<vmem>>, vector<16xi32>,
          %parallel_loop3A_359 = arith.constant 3 : i32
          %parallel_loop3A_360 = vector.broadcast %parallel_loop3A_359 : i32 to vector<16xi32>
          %parallel_loop3A_361 = arith.andi %parallel_loop3A_350, %parallel_loop3A_360 : vector<16xi32>
          %parallel_loop3A_362 = arith.constant 16 : i32
          %parallel_loop3A_363 = arith.muli %parallel_loop3A_345, %parallel_loop3A_362 : i32
          %parallel_loop3A_364 = arith.addi %mul3A_334, %parallel_loop3A_363 : i32
          %parallel_loop3A_365 = arith.index_cast %parallel_loop3A_364 : i32 to index
          %parallel_loop3A_366 = tpu.vector_load %arg7[%parallel_loop3A_365] {strides = array<i32>} : memref<1024xi32, #tpu.memory_space<vmem>>, vector<16xi32>,
          tpu.vector_store %arg7[%parallel_loop3A_365], %parallel_loop3A_361 {strides = array<i32>} : memref<1024xi32, #tpu.memory_space<vmem>>, vector<16xi32>,
        } {sc.loop_unroll_factor = 8 : i64, sc.parallel_access}
        %add3A_338 = arith.constant 1 : i32
        %add3A_339 = arith.addi %div3A_318, %add3A_338 : i32
        %lt3A_340 = arith.constant 100 : i32
        %lt3A_341 = arith.cmpi slt, %add3A_339, %lt3A_340 : i32
        %convert_element_type3A_342 = arith.extui %lt3A_341 : i1 to i32
        %cond3A_343 = arith.constant 0 : i32
        %cond3A_344 = arith.cmpi ne, %convert_element_type3A_342, %cond3A_343 : i32
        scf.if %cond3A_344 {
          %add3A_345 = arith.constant 1 : i32
          %add3A_346 = arith.addi %div3A_318, %add3A_345 : i32
          %rem3A_347 = arith.constant 2 : i32
          %rem3A_348 = arith.remsi %add3A_346, %rem3A_347 : i32
          %mul3A_349 = arith.constant 512 : i32
          %mul3A_350 = arith.muli %rem3A_348, %mul3A_349 : i32
          %dma_start3A_351 = tpu.memref_slice %arg5[%mul3A_350] : memref<1024xi32, #tpu.memory_space<vmem>> -> memref<512xi32, #tpu.memory_space<vmem>>
          %dma_start3A_352 = tpu.memref_slice %arg2[%add3A_346, %mul3A_2] : memref<100x16384xi32, #tpu.memory_space<hbm>> -> memref<1x512xi32, #tpu.memory_space<hbm>>
          %dma_start3A_353 = tpu.memref_squeeze %dma_start3A_352 : memref<1x512xi32, #tpu.memory_space<hbm>> -> memref<512xi32, #tpu.memory_space<hbm>>
          %dma_start3A_354 = tpu.memref_slice %arg10[%rem3A_348] : memref<2x!tpu.dma_semaphore, #tpu.memory_space<semaphore_mem>> -> memref<1x!tpu.dma_semaphore, #tpu.memory_space<semaphore_mem>>
          %dma_start3A_355 = tpu.memref_squeeze %dma_start3A_354 : memref<1x!tpu.dma_semaphore, #tpu.memory_space<semaphore_mem>> -> memref<!tpu.dma_semaphore, #tpu.memory_space<semaphore_mem>>
          %dma_start3A_356 = tpu.memref_slice %arg5[%mul3A_350] : memref<1024xi32, #tpu.memory_space<vmem>> -> memref<512xi32, #tpu.memory_space<vmem>>
          %dma_start3A_357 = tpu.memref_slice %arg2[%add3A_346, %mul3A_2] : memref<100x16384xi32, #tpu.memory_space<hbm>> -> memref<1x512xi32, #tpu.memory_space<hbm>>
          %dma_start3A_358 = tpu.memref_squeeze %dma_start3A_357 : memref<1x512xi32, #tpu.memory_space<hbm>> -> memref<512xi32, #tpu.memory_space<hbm>>
          tpu.enqueue_dma source(%dma_start3A_358 : memref<512xi32, #tpu.memory_space<hbm>>) target(%dma_start3A_356 : memref<512xi32, #tpu.memory_space<vmem>>) target_semaphore(%dma_start3A_355 : memref<!tpu.dma_semaphore, #tpu.memory_space<semaphore_mem>>)
        } else {
        }
      } else {
      }
      %add3A_139 = arith.constant 1 : i32
      %add3A_140 = arith.addi %scan3A_131, %add3A_139 : i32
      %lt3A_141 = arith.constant 400 : i32
      %lt3A_142 = arith.cmpi slt, %add3A_140, %lt3A_141 : i32
      %convert_element_type3A_143 = arith.extui %lt3A_142 : i1 to i32
      %cond3A_144 = arith.constant 0 : i32
      %cond3A_145 = arith.cmpi ne, %convert_element_type3A_143, %cond3A_144 : i32
      scf.if %cond3A_145 {
        %add3A_315 = arith.constant 1 : i32
        %add3A_316 = arith.addi %scan3A_131, %add3A_315 : i32
        %rem3A_317 = arith.constant 2 : i32
        %rem3A_318 = arith.remsi %add3A_316, %rem3A_317 : i32
        %div3A_319 = arith.constant 4 : i32
        %div3A_320 = arith.divsi %add3A_316, %div3A_319 : i32
        %rem3A_321 = arith.constant 2 : i32
        %rem3A_322 = arith.remsi %div3A_320, %rem3A_321 : i32
        %mul3A_323 = arith.constant 512 : i32
        %mul3A_324 = arith.muli %rem3A_322, %mul3A_323 : i32
        %rem3A_325 = arith.constant 4 : i32
        %rem3A_326 = arith.remsi %add3A_316, %rem3A_325 : i32
        %mul3A_327 = arith.constant 128 : i32
        %mul3A_328 = arith.muli %rem3A_326, %mul3A_327 : i32
        %add3A_329 = arith.addi %mul3A_324, %mul3A_328 : i32
        %mul3A_330 = arith.constant 128 : i32
        %mul3A_331 = arith.muli %rem3A_318, %mul3A_330 : i32
        %dma_start3A_332 = arith.constant 0 : i32
        %dma_start3A_333 = tpu.memref_slice %arg8[%mul3A_331, %dma_start3A_332] : memref<256x128xf32, #tpu.memory_space<vmem>> -> memref<128x128xf32, #tpu.memory_space<vmem>>
        %dma_start3A_334 = tpu.memref_slice %arg6[%add3A_329] : memref<1024xi32, #tpu.memory_space<vmem>> -> memref<128xi32, #tpu.memory_space<vmem>>
        %dma_start3A_335 = arith.constant 0 : i32
        %dma_start3A_336 = arith.constant 0 : i32
        %dma_start3A_337 = tpu.memref_slice %arg3[%dma_start3A_335, %dma_start3A_336] : memref<250000x128xf32, #tpu.memory_space<hbm>> -> memref<250000x128xf32, #tpu.memory_space<hbm>>
        %dma_start3A_338 = tpu.memref_slice %arg11[%rem3A_318] : memref<2x!tpu.dma_semaphore, #tpu.memory_space<semaphore_mem>> -> memref<1x!tpu.dma_semaphore, #tpu.memory_space<semaphore_mem>>
        %dma_start3A_339 = tpu.memref_squeeze %dma_start3A_338 : memref<1x!tpu.dma_semaphore, #tpu.memory_space<semaphore_mem>> -> memref<!tpu.dma_semaphore, #tpu.memory_space<semaphore_mem>>
        tpu.enqueue_indirect_dma source(%dma_start3A_337 : memref<250000x128xf32, #tpu.memory_space<hbm>>) target(%dma_start3A_333 : memref<128x128xf32, #tpu.memory_space<vmem>>) offsets(%dma_start3A_334 : memref<128xi32, #tpu.memory_space<vmem>>) semaphore(%dma_start3A_339 : memref<!tpu.dma_semaphore, #tpu.memory_space<semaphore_mem>>)
      } else {
      }
      %rem3A_146 = arith.constant 2 : i32
      %rem3A_147 = arith.remsi %scan3A_131, %rem3A_146 : i32
      %div3A_148 = arith.constant 4 : i32
      %div3A_149 = arith.divsi %scan3A_131, %div3A_148 : i32
      %rem3A_150 = arith.constant 2 : i32
      %rem3A_151 = arith.remsi %div3A_149, %rem3A_150 : i32
      %mul3A_152 = arith.constant 512 : i32
      %mul3A_153 = arith.muli %rem3A_151, %mul3A_152 : i32
      %rem3A_154 = arith.constant 4 : i32
      %rem3A_155 = arith.remsi %scan3A_131, %rem3A_154 : i32
      %mul3A_156 = arith.constant 128 : i32
      %mul3A_157 = arith.muli %rem3A_155, %mul3A_156 : i32
      %add3A_158 = arith.addi %mul3A_153, %mul3A_157 : i32
      %mul3A_159 = arith.constant 128 : i32
      %mul3A_160 = arith.muli %rem3A_147, %mul3A_159 : i32
      %dma_wait3A_161 = arith.constant 0 : i32
      %dma_wait3A_162 = tpu.memref_slice %arg8[%mul3A_160, %dma_wait3A_161] : memref<256x128xf32, #tpu.memory_space<vmem>> -> memref<128x128xf32, #tpu.memory_space<vmem>>
      %dma_wait3A_163 = tpu.memref_slice %arg6[%add3A_158] : memref<1024xi32, #tpu.memory_space<vmem>> -> memref<128xi32, #tpu.memory_space<vmem>>
      %dma_wait3A_164 = arith.constant 0 : i32
      %dma_wait3A_165 = arith.constant 0 : i32
      %dma_wait3A_166 = tpu.memref_slice %arg3[%dma_wait3A_164, %dma_wait3A_165] : memref<250000x128xf32, #tpu.memory_space<hbm>> -> memref<250000x128xf32, #tpu.memory_space<hbm>>
      %dma_wait3A_167 = tpu.memref_slice %arg11[%rem3A_147] : memref<2x!tpu.dma_semaphore, #tpu.memory_space<semaphore_mem>> -> memref<1x!tpu.dma_semaphore, #tpu.memory_space<semaphore_mem>>
      %dma_wait3A_168 = tpu.memref_squeeze %dma_wait3A_167 : memref<1x!tpu.dma_semaphore, #tpu.memory_space<semaphore_mem>> -> memref<!tpu.dma_semaphore, #tpu.memory_space<semaphore_mem>>
      tpu.wait_indirect_dma semaphore(%dma_wait3A_168 : memref<!tpu.dma_semaphore, #tpu.memory_space<semaphore_mem>>) src(%dma_wait3A_166 : memref<250000x128xf32, #tpu.memory_space<hbm>>) dst(%dma_wait3A_162 : memref<128x128xf32, #tpu.memory_space<vmem>>)
      %ge3A = arith.constant 2 : i32
      %ge3A_169 = arith.cmpi sge, %scan3A_131, %ge3A : i32
      %convert_element_type3A_170 = arith.extui %ge3A_169 : i1 to i32
      %cond3A_171 = arith.constant 0 : i32
      %cond3A_172 = arith.cmpi ne, %convert_element_type3A_170, %cond3A_171 : i32
      scf.if %cond3A_172 {
        %sub3A = arith.constant 2 : i32
        %sub3A_315 = arith.subi %scan3A_131, %sub3A : i32
        %rem3A_316 = arith.constant 2 : i32
        %rem3A_317 = arith.remsi %sub3A_315, %rem3A_316 : i32
        %mul3A_318 = arith.constant 32 : i32
        %mul3A_319 = arith.muli %rem3A_317, %mul3A_318 : i32
        %div3A_320 = arith.constant 4 : i32
        %div3A_321 = arith.divsi %sub3A_315, %div3A_320 : i32
        %rem3A_322 = arith.constant 4 : i32
        %rem3A_323 = arith.remsi %sub3A_315, %rem3A_322 : i32
        %mul3A_324 = arith.constant 128 : i32
        %mul3A_325 = arith.muli %rem3A_323, %mul3A_324 : i32
        %add3A_326 = arith.addi %mul3A_2, %mul3A_325 : i32
        %dma_wait3A_327 = arith.constant 0 : i32
        %dma_wait3A_328 = tpu.memref_slice %arg9[%mul3A_319, %dma_wait3A_327] : memref<64x128xf32, #tpu.memory_space<vmem>> -> memref<32x128xf32, #tpu.memory_space<vmem>>
        %dma_wait3A_329 = arith.constant 0 : i32
        %dma_wait3A_330 = tpu.memref_slice %arg4[%div3A_321, %dma_wait3A_329, %add3A_326] : memref<100x32x16384xf32, #tpu.memory_space<hbm>> -> memref<1x32x128xf32, #tpu.memory_space<hbm>>
        %dma_wait3A_331 = tpu.memref_squeeze %dma_wait3A_330 : memref<1x32x128xf32, #tpu.memory_space<hbm>> -> memref<32x128xf32, #tpu.memory_space<hbm>>
        %dma_wait3A_332 = tpu.memref_slice %arg12[%rem3A_317] : memref<2x!tpu.dma_semaphore, #tpu.memory_space<semaphore_mem>> -> memref<1x!tpu.dma_semaphore, #tpu.memory_space<semaphore_mem>>
        %dma_wait3A_333 = tpu.memref_squeeze %dma_wait3A_332 : memref<1x!tpu.dma_semaphore, #tpu.memory_space<semaphore_mem>> -> memref<!tpu.dma_semaphore, #tpu.memory_space<semaphore_mem>>
        %dma_wait3A_334 = arith.constant 0 : i32
        %dma_wait3A_335 = tpu.memref_slice %arg4[%div3A_321, %dma_wait3A_334, %add3A_326] : memref<100x32x16384xf32, #tpu.memory_space<hbm>> -> memref<1x32x128xf32, #tpu.memory_space<hbm>>
        %dma_wait3A_336 = tpu.memref_squeeze %dma_wait3A_335 : memref<1x32x128xf32, #tpu.memory_space<hbm>> -> memref<32x128xf32, #tpu.memory_space<hbm>>
        %dma_wait3A_337 = arith.constant 0 : i32
        %dma_wait3A_338 = tpu.memref_slice %arg9[%mul3A_319, %dma_wait3A_337] : memref<64x128xf32, #tpu.memory_space<vmem>> -> memref<32x128xf32, #tpu.memory_space<vmem>>
        tpu.wait_dma2 semaphore(%dma_wait3A_333 : memref<!tpu.dma_semaphore, #tpu.memory_space<semaphore_mem>>) src(%dma_wait3A_338 : memref<32x128xf32, #tpu.memory_space<vmem>>) dst(%dma_wait3A_336 : memref<32x128xf32, #tpu.memory_space<hbm>>)
      } else {
      }
      %rem3A_173 = arith.constant 2 : i32
      %rem3A_174 = arith.remsi %scan3A_131, %rem3A_173 : i32
      %div3A_175 = arith.constant 4 : i32
      %div3A_176 = arith.divsi %scan3A_131, %div3A_175 : i32
      %rem3A_177 = arith.constant 2 : i32
      %rem3A_178 = arith.remsi %div3A_176, %rem3A_177 : i32
      %mul3A_179 = arith.constant 512 : i32
      %mul3A_180 = arith.muli %rem3A_178, %mul3A_179 : i32
      %rem3A_181 = arith.constant 4 : i32
      %rem3A_182 = arith.remsi %scan3A_131, %rem3A_181 : i32
      %mul3A_183 = arith.constant 128 : i32
      %mul3A_184 = arith.muli %rem3A_182, %mul3A_183 : i32
      %add3A_185 = arith.addi %mul3A_180, %mul3A_184 : i32
      %mul3A_186 = arith.constant 128 : i32
      %mul3A_187 = arith.muli %rem3A_174, %mul3A_186 : i32
      %add3A_188 = arith.constant 0 : i32
      %add3A_189 = arith.addi %mul3A_187, %add3A_188 : i32
      %add3A_190 = vector.broadcast %add3A_189 : i32 to vector<16xi32>
      %add3A_191 = arith.addi %add3A_190, %iota3A : vector<16xi32>
      %mul3A_192 = arith.constant 128 : i32
      %mul3A_193 = arith.muli %rem3A_174, %mul3A_192 : i32
      %add3A_194 = arith.constant 16 : i32
      %add3A_195 = arith.addi %mul3A_193, %add3A_194 : i32
      %add3A_196 = vector.broadcast %add3A_195 : i32 to vector<16xi32>
      %add3A_197 = arith.addi %add3A_196, %iota3A : vector<16xi32>
      %mul3A_198 = arith.constant 128 : i32
      %mul3A_199 = arith.muli %rem3A_174, %mul3A_198 : i32
      %add3A_200 = arith.constant 32 : i32
      %add3A_201 = arith.addi %mul3A_199, %add3A_200 : i32
      %add3A_202 = vector.broadcast %add3A_201 : i32 to vector<16xi32>
      %add3A_203 = arith.addi %add3A_202, %iota3A : vector<16xi32>
      %mul3A_204 = arith.constant 128 : i32
      %mul3A_205 = arith.muli %rem3A_174, %mul3A_204 : i32
      %add3A_206 = arith.constant 48 : i32
      %add3A_207 = arith.addi %mul3A_205, %add3A_206 : i32
      %add3A_208 = vector.broadcast %add3A_207 : i32 to vector<16xi32>
      %add3A_209 = arith.addi %add3A_208, %iota3A : vector<16xi32>
      %mul3A_210 = arith.constant 128 : i32
      %mul3A_211 = arith.muli %rem3A_174, %mul3A_210 : i32
      %add3A_212 = arith.constant 64 : i32
      %add3A_213 = arith.addi %mul3A_211, %add3A_212 : i32
      %add3A_214 = vector.broadcast %add3A_213 : i32 to vector<16xi32>
      %add3A_215 = arith.addi %add3A_214, %iota3A : vector<16xi32>
      %mul3A_216 = arith.constant 128 : i32
      %mul3A_217 = arith.muli %rem3A_174, %mul3A_216 : i32
      %add3A_218 = arith.constant 80 : i32
      %add3A_219 = arith.addi %mul3A_217, %add3A_218 : i32
      %add3A_220 = vector.broadcast %add3A_219 : i32 to vector<16xi32>
      %add3A_221 = arith.addi %add3A_220, %iota3A : vector<16xi32>
      %mul3A_222 = arith.constant 128 : i32
      %mul3A_223 = arith.muli %rem3A_174, %mul3A_222 : i32
      %add3A_224 = arith.constant 96 : i32
      %add3A_225 = arith.addi %mul3A_223, %add3A_224 : i32
      %add3A_226 = vector.broadcast %add3A_225 : i32 to vector<16xi32>
      %add3A_227 = arith.addi %add3A_226, %iota3A : vector<16xi32>
      %mul3A_228 = arith.constant 128 : i32
      %mul3A_229 = arith.muli %rem3A_174, %mul3A_228 : i32
      %add3A_230 = arith.constant 112 : i32
      %add3A_231 = arith.addi %mul3A_229, %add3A_230 : i32
      %add3A_232 = vector.broadcast %add3A_231 : i32 to vector<16xi32>
      %add3A_233 = arith.addi %add3A_232, %iota3A : vector<16xi32>
      %add3A_234 = arith.constant 0 : i32
      %add3A_235 = arith.addi %add3A_185, %add3A_234 : i32
      %get3A = arith.index_cast %add3A_235 : i32 to index
      %get3A_236 = tpu.vector_load %arg7[%get3A] {strides = array<i32>} : memref<1024xi32, #tpu.memory_space<vmem>>, vector<16xi32>,
      %mul3A_237 = arith.constant 32 : i32
      %mul3A_238 = vector.broadcast %mul3A_237 : i32 to vector<16xi32>
      %mul3A_239 = arith.muli %get3A_236, %mul3A_238 : vector<16xi32>
      %add3A_240 = arith.constant 16 : i32
      %add3A_241 = arith.addi %add3A_185, %add3A_240 : i32
      %get3A_242 = arith.index_cast %add3A_241 : i32 to index
      %get3A_243 = tpu.vector_load %arg7[%get3A_242] {strides = array<i32>} : memref<1024xi32, #tpu.memory_space<vmem>>, vector<16xi32>,
      %mul3A_244 = arith.constant 32 : i32
      %mul3A_245 = vector.broadcast %mul3A_244 : i32 to vector<16xi32>
      %mul3A_246 = arith.muli %get3A_243, %mul3A_245 : vector<16xi32>
      %add3A_247 = arith.constant 32 : i32
      %add3A_248 = arith.addi %add3A_185, %add3A_247 : i32
      %get3A_249 = arith.index_cast %add3A_248 : i32 to index
      %get3A_250 = tpu.vector_load %arg7[%get3A_249] {strides = array<i32>} : memref<1024xi32, #tpu.memory_space<vmem>>, vector<16xi32>,
      %mul3A_251 = arith.constant 32 : i32
      %mul3A_252 = vector.broadcast %mul3A_251 : i32 to vector<16xi32>
      %mul3A_253 = arith.muli %get3A_250, %mul3A_252 : vector<16xi32>
      %add3A_254 = arith.constant 48 : i32
      %add3A_255 = arith.addi %add3A_185, %add3A_254 : i32
      %get3A_256 = arith.index_cast %add3A_255 : i32 to index
      %get3A_257 = tpu.vector_load %arg7[%get3A_256] {strides = array<i32>} : memref<1024xi32, #tpu.memory_space<vmem>>, vector<16xi32>,
      %mul3A_258 = arith.constant 32 : i32
      %mul3A_259 = vector.broadcast %mul3A_258 : i32 to vector<16xi32>
      %mul3A_260 = arith.muli %get3A_257, %mul3A_259 : vector<16xi32>
      %add3A_261 = arith.constant 64 : i32
      %add3A_262 = arith.addi %add3A_185, %add3A_261 : i32
      %get3A_263 = arith.index_cast %add3A_262 : i32 to index
      %get3A_264 = tpu.vector_load %arg7[%get3A_263] {strides = array<i32>} : memref<1024xi32, #tpu.memory_space<vmem>>, vector<16xi32>,
      %mul3A_265 = arith.constant 32 : i32
      %mul3A_266 = vector.broadcast %mul3A_265 : i32 to vector<16xi32>
      %mul3A_267 = arith.muli %get3A_264, %mul3A_266 : vector<16xi32>
      %add3A_268 = arith.constant 80 : i32
      %add3A_269 = arith.addi %add3A_185, %add3A_268 : i32
      %get3A_270 = arith.index_cast %add3A_269 : i32 to index
      %get3A_271 = tpu.vector_load %arg7[%get3A_270] {strides = array<i32>} : memref<1024xi32, #tpu.memory_space<vmem>>, vector<16xi32>,
      %mul3A_272 = arith.constant 32 : i32
      %mul3A_273 = vector.broadcast %mul3A_272 : i32 to vector<16xi32>
      %mul3A_274 = arith.muli %get3A_271, %mul3A_273 : vector<16xi32>
      %add3A_275 = arith.constant 96 : i32
      %add3A_276 = arith.addi %add3A_185, %add3A_275 : i32
      %get3A_277 = arith.index_cast %add3A_276 : i32 to index
      %get3A_278 = tpu.vector_load %arg7[%get3A_277] {strides = array<i32>} : memref<1024xi32, #tpu.memory_space<vmem>>, vector<16xi32>,
      %mul3A_279 = arith.constant 32 : i32
      %mul3A_280 = vector.broadcast %mul3A_279 : i32 to vector<16xi32>
      %mul3A_281 = arith.muli %get3A_278, %mul3A_280 : vector<16xi32>
      %add3A_282 = arith.constant 112 : i32
      %add3A_283 = arith.addi %add3A_185, %add3A_282 : i32
      %get3A_284 = arith.index_cast %add3A_283 : i32 to index
      %get3A_285 = tpu.vector_load %arg7[%get3A_284] {strides = array<i32>} : memref<1024xi32, #tpu.memory_space<vmem>>, vector<16xi32>,
      %mul3A_286 = arith.constant 32 : i32
      %mul3A_287 = vector.broadcast %mul3A_286 : i32 to vector<16xi32>
      %mul3A_288 = arith.muli %get3A_285, %mul3A_287 : vector<16xi32>
      %parallel_loop3A_289 = arith.constant 0 : i32
      %parallel_loop3A_290 = arith.constant 32 : i32
      %parallel_loop3A_291 = arith.constant 1 : i32
      scf.for %parallel_loop3A_315 = %parallel_loop3A_289 to %parallel_loop3A_290 step %parallel_loop3A_291  : i32 {
        %parallel_loop3A_316 = vector.broadcast %parallel_loop3A_315 : i32 to vector<16xi32>
        %parallel_loop3A_317 = arith.addi %mul3A_239, %parallel_loop3A_316 : vector<16xi32>
        %parallel_loop3A_318 = tpu.vector_load_idx %arg8[%add3A_191, %parallel_loop3A_317] : memref<256x128xf32, #tpu.memory_space<vmem>>[vector<16xi32>, vector<16xi32>], vector<16xf32>,
        %parallel_loop3A_319 = arith.constant 32 : i32
        %parallel_loop3A_320 = arith.muli %rem3A_174, %parallel_loop3A_319 : i32
        %parallel_loop3A_321 = arith.addi %parallel_loop3A_320, %parallel_loop3A_315 : i32
        %parallel_loop3A_322 = arith.index_cast %parallel_loop3A_321 : i32 to index
        %parallel_loop3A_323 = arith.constant 0 : index
        %parallel_loop3A_324 = tpu.vector_load %arg9[%parallel_loop3A_322, %parallel_loop3A_323] {strides = array<i32>} : memref<64x128xf32, #tpu.memory_space<vmem>>, vector<16xf32>,
        tpu.vector_store %arg9[%parallel_loop3A_322, %parallel_loop3A_323], %parallel_loop3A_318 {strides = array<i32>} : memref<64x128xf32, #tpu.memory_space<vmem>>, vector<16xf32>,
        %parallel_loop3A_325 = arith.addi %mul3A_246, %parallel_loop3A_316 : vector<16xi32>
        %parallel_loop3A_326 = tpu.vector_load_idx %arg8[%add3A_197, %parallel_loop3A_325] : memref<256x128xf32, #tpu.memory_space<vmem>>[vector<16xi32>, vector<16xi32>], vector<16xf32>,
        %parallel_loop3A_327 = arith.constant 32 : i32
        %parallel_loop3A_328 = arith.muli %rem3A_174, %parallel_loop3A_327 : i32
        %parallel_loop3A_329 = arith.addi %parallel_loop3A_328, %parallel_loop3A_315 : i32
        %parallel_loop3A_330 = arith.index_cast %parallel_loop3A_329 : i32 to index
        %parallel_loop3A_331 = arith.constant 16 : index
        %parallel_loop3A_332 = tpu.vector_load %arg9[%parallel_loop3A_330, %parallel_loop3A_331] {strides = array<i32>} : memref<64x128xf32, #tpu.memory_space<vmem>>, vector<16xf32>,
        tpu.vector_store %arg9[%parallel_loop3A_330, %parallel_loop3A_331], %parallel_loop3A_326 {strides = array<i32>} : memref<64x128xf32, #tpu.memory_space<vmem>>, vector<16xf32>,
        %parallel_loop3A_333 = arith.addi %mul3A_253, %parallel_loop3A_316 : vector<16xi32>
        %parallel_loop3A_334 = tpu.vector_load_idx %arg8[%add3A_203, %parallel_loop3A_333] : memref<256x128xf32, #tpu.memory_space<vmem>>[vector<16xi32>, vector<16xi32>], vector<16xf32>,
        %parallel_loop3A_335 = arith.constant 32 : i32
        %parallel_loop3A_336 = arith.muli %rem3A_174, %parallel_loop3A_335 : i32
        %parallel_loop3A_337 = arith.addi %parallel_loop3A_336, %parallel_loop3A_315 : i32
        %parallel_loop3A_338 = arith.index_cast %parallel_loop3A_337 : i32 to index
        %parallel_loop3A_339 = arith.constant 32 : index
        %parallel_loop3A_340 = tpu.vector_load %arg9[%parallel_loop3A_338, %parallel_loop3A_339] {strides = array<i32>} : memref<64x128xf32, #tpu.memory_space<vmem>>, vector<16xf32>,
        tpu.vector_store %arg9[%parallel_loop3A_338, %parallel_loop3A_339], %parallel_loop3A_334 {strides = array<i32>} : memref<64x128xf32, #tpu.memory_space<vmem>>, vector<16xf32>,
        %parallel_loop3A_341 = arith.addi %mul3A_260, %parallel_loop3A_316 : vector<16xi32>
        %parallel_loop3A_342 = tpu.vector_load_idx %arg8[%add3A_209, %parallel_loop3A_341] : memref<256x128xf32, #tpu.memory_space<vmem>>[vector<16xi32>, vector<16xi32>], vector<16xf32>,
        %parallel_loop3A_343 = arith.constant 32 : i32
        %parallel_loop3A_344 = arith.muli %rem3A_174, %parallel_loop3A_343 : i32
        %parallel_loop3A_345 = arith.addi %parallel_loop3A_344, %parallel_loop3A_315 : i32
        %parallel_loop3A_346 = arith.index_cast %parallel_loop3A_345 : i32 to index
        %parallel_loop3A_347 = arith.constant 48 : index
        %parallel_loop3A_348 = tpu.vector_load %arg9[%parallel_loop3A_346, %parallel_loop3A_347] {strides = array<i32>} : memref<64x128xf32, #tpu.memory_space<vmem>>, vector<16xf32>,
        tpu.vector_store %arg9[%parallel_loop3A_346, %parallel_loop3A_347], %parallel_loop3A_342 {strides = array<i32>} : memref<64x128xf32, #tpu.memory_space<vmem>>, vector<16xf32>,
        %parallel_loop3A_349 = arith.addi %mul3A_267, %parallel_loop3A_316 : vector<16xi32>
        %parallel_loop3A_350 = tpu.vector_load_idx %arg8[%add3A_215, %parallel_loop3A_349] : memref<256x128xf32, #tpu.memory_space<vmem>>[vector<16xi32>, vector<16xi32>], vector<16xf32>,
        %parallel_loop3A_351 = arith.constant 32 : i32
        %parallel_loop3A_352 = arith.muli %rem3A_174, %parallel_loop3A_351 : i32
        %parallel_loop3A_353 = arith.addi %parallel_loop3A_352, %parallel_loop3A_315 : i32
        %parallel_loop3A_354 = arith.index_cast %parallel_loop3A_353 : i32 to index
        %parallel_loop3A_355 = arith.constant 64 : index
        %parallel_loop3A_356 = tpu.vector_load %arg9[%parallel_loop3A_354, %parallel_loop3A_355] {strides = array<i32>} : memref<64x128xf32, #tpu.memory_space<vmem>>, vector<16xf32>,
        tpu.vector_store %arg9[%parallel_loop3A_354, %parallel_loop3A_355], %parallel_loop3A_350 {strides = array<i32>} : memref<64x128xf32, #tpu.memory_space<vmem>>, vector<16xf32>,
        %parallel_loop3A_357 = arith.addi %mul3A_274, %parallel_loop3A_316 : vector<16xi32>
        %parallel_loop3A_358 = tpu.vector_load_idx %arg8[%add3A_221, %parallel_loop3A_357] : memref<256x128xf32, #tpu.memory_space<vmem>>[vector<16xi32>, vector<16xi32>], vector<16xf32>,
        %parallel_loop3A_359 = arith.constant 32 : i32
        %parallel_loop3A_360 = arith.muli %rem3A_174, %parallel_loop3A_359 : i32
        %parallel_loop3A_361 = arith.addi %parallel_loop3A_360, %parallel_loop3A_315 : i32
        %parallel_loop3A_362 = arith.index_cast %parallel_loop3A_361 : i32 to index
        %parallel_loop3A_363 = arith.constant 80 : index
        %parallel_loop3A_364 = tpu.vector_load %arg9[%parallel_loop3A_362, %parallel_loop3A_363] {strides = array<i32>} : memref<64x128xf32, #tpu.memory_space<vmem>>, vector<16xf32>,
        tpu.vector_store %arg9[%parallel_loop3A_362, %parallel_loop3A_363], %parallel_loop3A_358 {strides = array<i32>} : memref<64x128xf32, #tpu.memory_space<vmem>>, vector<16xf32>,
        %parallel_loop3A_365 = arith.addi %mul3A_281, %parallel_loop3A_316 : vector<16xi32>
        %parallel_loop3A_366 = tpu.vector_load_idx %arg8[%add3A_227, %parallel_loop3A_365] : memref<256x128xf32, #tpu.memory_space<vmem>>[vector<16xi32>, vector<16xi32>], vector<16xf32>,
        %parallel_loop3A_367 = arith.constant 32 : i32
        %parallel_loop3A_368 = arith.muli %rem3A_174, %parallel_loop3A_367 : i32
        %parallel_loop3A_369 = arith.addi %parallel_loop3A_368, %parallel_loop3A_315 : i32
        %parallel_loop3A_370 = arith.index_cast %parallel_loop3A_369 : i32 to index
        %parallel_loop3A_371 = arith.constant 96 : index
        %parallel_loop3A_372 = tpu.vector_load %arg9[%parallel_loop3A_370, %parallel_loop3A_371] {strides = array<i32>} : memref<64x128xf32, #tpu.memory_space<vmem>>, vector<16xf32>,
        tpu.vector_store %arg9[%parallel_loop3A_370, %parallel_loop3A_371], %parallel_loop3A_366 {strides = array<i32>} : memref<64x128xf32, #tpu.memory_space<vmem>>, vector<16xf32>,
        %parallel_loop3A_373 = arith.addi %mul3A_288, %parallel_loop3A_316 : vector<16xi32>
        %parallel_loop3A_374 = tpu.vector_load_idx %arg8[%add3A_233, %parallel_loop3A_373] : memref<256x128xf32, #tpu.memory_space<vmem>>[vector<16xi32>, vector<16xi32>], vector<16xf32>,
        %parallel_loop3A_375 = arith.constant 32 : i32
        %parallel_loop3A_376 = arith.muli %rem3A_174, %parallel_loop3A_375 : i32
        %parallel_loop3A_377 = arith.addi %parallel_loop3A_376, %parallel_loop3A_315 : i32
        %parallel_loop3A_378 = arith.index_cast %parallel_loop3A_377 : i32 to index
        %parallel_loop3A_379 = arith.constant 112 : index
        %parallel_loop3A_380 = tpu.vector_load %arg9[%parallel_loop3A_378, %parallel_loop3A_379] {strides = array<i32>} : memref<64x128xf32, #tpu.memory_space<vmem>>, vector<16xf32>,
        tpu.vector_store %arg9[%parallel_loop3A_378, %parallel_loop3A_379], %parallel_loop3A_374 {strides = array<i32>} : memref<64x128xf32, #tpu.memory_space<vmem>>, vector<16xf32>,
      } {sc.loop_unroll_factor = 2 : i64, sc.parallel_access}
      %rem3A_292 = arith.constant 2 : i32
      %rem3A_293 = arith.remsi %scan3A_131, %rem3A_292 : i32
      %mul3A_294 = arith.constant 32 : i32
      %mul3A_295 = arith.muli %rem3A_293, %mul3A_294 : i32
      %div3A_296 = arith.constant 4 : i32
      %div3A_297 = arith.divsi %scan3A_131, %div3A_296 : i32
      %rem3A_298 = arith.constant 4 : i32
      %rem3A_299 = arith.remsi %scan3A_131, %rem3A_298 : i32
      %mul3A_300 = arith.constant 128 : i32
      %mul3A_301 = arith.muli %rem3A_299, %mul3A_300 : i32
      %add3A_302 = arith.addi %mul3A_2, %mul3A_301 : i32
      %dma_start3A_303 = arith.constant 0 : i32
      %dma_start3A_304 = tpu.memref_slice %arg9[%mul3A_295, %dma_start3A_303] : memref<64x128xf32, #tpu.memory_space<vmem>> -> memref<32x128xf32, #tpu.memory_space<vmem>>
      %dma_start3A_305 = arith.constant 0 : i32
      %dma_start3A_306 = tpu.memref_slice %arg4[%div3A_297, %dma_start3A_305, %add3A_302] : memref<100x32x16384xf32, #tpu.memory_space<hbm>> -> memref<1x32x128xf32, #tpu.memory_space<hbm>>
      %dma_start3A_307 = tpu.memref_squeeze %dma_start3A_306 : memref<1x32x128xf32, #tpu.memory_space<hbm>> -> memref<32x128xf32, #tpu.memory_space<hbm>>
      %dma_start3A_308 = tpu.memref_slice %arg12[%rem3A_293] : memref<2x!tpu.dma_semaphore, #tpu.memory_space<semaphore_mem>> -> memref<1x!tpu.dma_semaphore, #tpu.memory_space<semaphore_mem>>
      %dma_start3A_309 = tpu.memref_squeeze %dma_start3A_308 : memref<1x!tpu.dma_semaphore, #tpu.memory_space<semaphore_mem>> -> memref<!tpu.dma_semaphore, #tpu.memory_space<semaphore_mem>>
      %dma_start3A_310 = arith.constant 0 : i32
      %dma_start3A_311 = tpu.memref_slice %arg4[%div3A_297, %dma_start3A_310, %add3A_302] : memref<100x32x16384xf32, #tpu.memory_space<hbm>> -> memref<1x32x128xf32, #tpu.memory_space<hbm>>
      %dma_start3A_312 = tpu.memref_squeeze %dma_start3A_311 : memref<1x32x128xf32, #tpu.memory_space<hbm>> -> memref<32x128xf32, #tpu.memory_space<hbm>>
      %dma_start3A_313 = arith.constant 0 : i32
      %dma_start3A_314 = tpu.memref_slice %arg9[%mul3A_295, %dma_start3A_313] : memref<64x128xf32, #tpu.memory_space<vmem>> -> memref<32x128xf32, #tpu.memory_space<vmem>>
      tpu.enqueue_dma source(%dma_start3A_314 : memref<32x128xf32, #tpu.memory_space<vmem>>) target(%dma_start3A_312 : memref<32x128xf32, #tpu.memory_space<hbm>>) target_semaphore(%dma_start3A_309 : memref<!tpu.dma_semaphore, #tpu.memory_space<semaphore_mem>>)
    }
    %scan3A_78 = arith.constant 400 : i32
    %rem3A_79 = arith.constant 398 : i32
    %rem3A_80 = arith.constant 2 : i32
    %rem3A_81 = arith.remsi %rem3A_79, %rem3A_80 : i32
    %mul3A_82 = arith.constant 32 : i32
    %mul3A_83 = arith.muli %rem3A_81, %mul3A_82 : i32
    %div3A_84 = arith.constant 398 : i32
    %div3A_85 = arith.constant 4 : i32
    %div3A_86 = arith.divsi %div3A_84, %div3A_85 : i32
    %rem3A_87 = arith.constant 398 : i32
    %rem3A_88 = arith.constant 4 : i32
    %rem3A_89 = arith.remsi %rem3A_87, %rem3A_88 : i32
    %mul3A_90 = arith.constant 128 : i32
    %mul3A_91 = arith.muli %rem3A_89, %mul3A_90 : i32
    %add3A_92 = arith.addi %mul3A_2, %mul3A_91 : i32
    %dma_wait3A_93 = arith.constant 0 : i32
    %dma_wait3A_94 = tpu.memref_slice %arg9[%mul3A_83, %dma_wait3A_93] : memref<64x128xf32, #tpu.memory_space<vmem>> -> memref<32x128xf32, #tpu.memory_space<vmem>>
    %dma_wait3A_95 = arith.constant 0 : i32
    %dma_wait3A_96 = tpu.memref_slice %arg4[%div3A_86, %dma_wait3A_95, %add3A_92] : memref<100x32x16384xf32, #tpu.memory_space<hbm>> -> memref<1x32x128xf32, #tpu.memory_space<hbm>>
    %dma_wait3A_97 = tpu.memref_squeeze %dma_wait3A_96 : memref<1x32x128xf32, #tpu.memory_space<hbm>> -> memref<32x128xf32, #tpu.memory_space<hbm>>
    %dma_wait3A_98 = tpu.memref_slice %arg12[%rem3A_81] : memref<2x!tpu.dma_semaphore, #tpu.memory_space<semaphore_mem>> -> memref<1x!tpu.dma_semaphore, #tpu.memory_space<semaphore_mem>>
    %dma_wait3A_99 = tpu.memref_squeeze %dma_wait3A_98 : memref<1x!tpu.dma_semaphore, #tpu.memory_space<semaphore_mem>> -> memref<!tpu.dma_semaphore, #tpu.memory_space<semaphore_mem>>
    %dma_wait3A_100 = arith.constant 0 : i32
    %dma_wait3A_101 = tpu.memref_slice %arg4[%div3A_86, %dma_wait3A_100, %add3A_92] : memref<100x32x16384xf32, #tpu.memory_space<hbm>> -> memref<1x32x128xf32, #tpu.memory_space<hbm>>
    %dma_wait3A_102 = tpu.memref_squeeze %dma_wait3A_101 : memref<1x32x128xf32, #tpu.memory_space<hbm>> -> memref<32x128xf32, #tpu.memory_space<hbm>>
    %dma_wait3A_103 = arith.constant 0 : i32
    %dma_wait3A_104 = tpu.memref_slice %arg9[%mul3A_83, %dma_wait3A_103] : memref<64x128xf32, #tpu.memory_space<vmem>> -> memref<32x128xf32, #tpu.memory_space<vmem>>
    tpu.wait_dma2 semaphore(%dma_wait3A_99 : memref<!tpu.dma_semaphore, #tpu.memory_space<semaphore_mem>>) src(%dma_wait3A_104 : memref<32x128xf32, #tpu.memory_space<vmem>>) dst(%dma_wait3A_102 : memref<32x128xf32, #tpu.memory_space<hbm>>)
    %rem3A_105 = arith.constant 399 : i32
    %rem3A_106 = arith.constant 2 : i32
    %rem3A_107 = arith.remsi %rem3A_105, %rem3A_106 : i32
    %mul3A_108 = arith.constant 32 : i32
    %mul3A_109 = arith.muli %rem3A_107, %mul3A_108 : i32
    %div3A_110 = arith.constant 399 : i32
    %div3A_111 = arith.constant 4 : i32
    %div3A_112 = arith.divsi %div3A_110, %div3A_111 : i32
    %rem3A_113 = arith.constant 399 : i32
    %rem3A_114 = arith.constant 4 : i32
    %rem3A_115 = arith.remsi %rem3A_113, %rem3A_114 : i32
    %mul3A_116 = arith.constant 128 : i32
    %mul3A_117 = arith.muli %rem3A_115, %mul3A_116 : i32
    %add3A_118 = arith.addi %mul3A_2, %mul3A_117 : i32
    %dma_wait3A_119 = arith.constant 0 : i32
    %dma_wait3A_120 = tpu.memref_slice %arg9[%mul3A_109, %dma_wait3A_119] : memref<64x128xf32, #tpu.memory_space<vmem>> -> memref<32x128xf32, #tpu.memory_space<vmem>>
    %dma_wait3A_121 = arith.constant 0 : i32
    %dma_wait3A_122 = tpu.memref_slice %arg4[%div3A_112, %dma_wait3A_121, %add3A_118] : memref<100x32x16384xf32, #tpu.memory_space<hbm>> -> memref<1x32x128xf32, #tpu.memory_space<hbm>>
    %dma_wait3A_123 = tpu.memref_squeeze %dma_wait3A_122 : memref<1x32x128xf32, #tpu.memory_space<hbm>> -> memref<32x128xf32, #tpu.memory_space<hbm>>
    %dma_wait3A_124 = tpu.memref_slice %arg12[%rem3A_107] : memref<2x!tpu.dma_semaphore, #tpu.memory_space<semaphore_mem>> -> memref<1x!tpu.dma_semaphore, #tpu.memory_space<semaphore_mem>>
    %dma_wait3A_125 = tpu.memref_squeeze %dma_wait3A_124 : memref<1x!tpu.dma_semaphore, #tpu.memory_space<semaphore_mem>> -> memref<!tpu.dma_semaphore, #tpu.memory_space<semaphore_mem>>
    %dma_wait3A_126 = arith.constant 0 : i32
    %dma_wait3A_127 = tpu.memref_slice %arg4[%div3A_112, %dma_wait3A_126, %add3A_118] : memref<100x32x16384xf32, #tpu.memory_space<hbm>> -> memref<1x32x128xf32, #tpu.memory_space<hbm>>
    %dma_wait3A_128 = tpu.memref_squeeze %dma_wait3A_127 : memref<1x32x128xf32, #tpu.memory_space<hbm>> -> memref<32x128xf32, #tpu.memory_space<hbm>>
    %dma_wait3A_129 = arith.constant 0 : i32
    %dma_wait3A_130 = tpu.memref_slice %arg9[%mul3A_109, %dma_wait3A_129] : memref<64x128xf32, #tpu.memory_space<vmem>> -> memref<32x128xf32, #tpu.memory_space<vmem>>
    tpu.wait_dma2 semaphore(%dma_wait3A_125 : memref<!tpu.dma_semaphore, #tpu.memory_space<semaphore_mem>>) src(%dma_wait3A_130 : memref<32x128xf32, #tpu.memory_space<vmem>>) dst(%dma_wait3A_128 : memref<32x128xf32, #tpu.memory_space<hbm>>)
    return
  }
}

</mosaic_0001>

<sc_bundles>
// kernel: kernel.3.cloned.1.call-start
scs
__scs_entry_jumppad:
0x0: {  	(pc) =	sbr.rel $0x88, $3  }
0x1: {  	(tag) =	ssettag $0x0;
	lr =	simm.s32 $0x1  }
0x2: {  	[smem:$0x3F9F] =	sst lr;
	_ =	strace $0xD0000000  }
0x3: {  	_ = 	snop  }
0x4: {  	_ = 	snop  }
0x5: {  	_ = 	snop  }
0x6: {  	_ = 	snop  }
0x7: {  	_ = 	snop  }
__scs_overlays_trampoline_lowered:
0x8: {  	[smem:$0x3FAE] =	sst s0  }
0x9: {  	[smem:$0x3FAF] =	sst s1  }
0xa: {  	[smem:$0x3FB0] =	sst s2  }
0xb: {  	[smem:$0x3FB1] =	sst s3  }
0xc: {  	[smem:$0x3FB2] =	sst s4  }
0xd: {  	[smem:$0x3FB3] =	sst s5  }
0xe: {  	[smem:$0x3FB4] =	sst s6  }
0xf: {  	[smem:$0x3FB5] =	sst s7  }
0x10: {  	[smem:$0x3FB6] =	sst s8  }
0x11: {  	[smem:$0x3FB7] =	sst s9;
	s0 =	simm.s32 @!p0 $0x0  }
0x12: {  	s1 =	sld [smem:$0x3F9D];
	s0 =	simm.s32 @p0 $0x1  }
0x13: {  	[smem:$0x3FB8] =	sst s0;
	s0 =	simm.s32 @!p1 $0x0  }
0x14: {  	s2 =	sld [smem:$0x3F9C];
	s0 =	simm.s32 @p1 $0x1  }
0x15: {  	[smem:$0x3FB9] =	sst s0;
	s0 =	simm.s32 @!p2 $0x0  }
0x16: {  	s3 =	sld [smem:$0x3FDB];
	s0 =	simm.s32 @p2 $0x1  }
0x17: {  	s4 =	simm.s32 $0x1BF5;
	[smem:$0x3FBB] =	sst s0  }
0x18: {  	s0 =	sld [smem:$0x3F9E];
	_ =	swait.ge [sflag:s4], $0x0  }
0x19: {  	s7 =	sld [smem:$0x3F9F]  }
0x1a: {  	s8 =	sadd.s32 $0xFFFFE003, lr  }
0x1b: {  	s9 =	sadd.s32 $0xFFFFFEF7, lr;
	s5 =	simm.s32 $0xFFFFFFFF;
	p2 =	slt.u32 s8, $0xFFFFF086  }
0x1c: {  	p1 =	slt.u32 s9, $0xF7A;
	s5 =	simm.s32 @!p2 $0x0  }
0x1d: {  	s5 =	simm.s32 @p1 $0x1;
	p0 =	seq.s32 s7, s2  }
0x1e: {  	s7 =	smul.u32 @!p0 $0xF7A, s2;
	p2 =	seq.s32 @!p0 s5, $0x0  }
0x1f: {  	s9 =	smul.u32 $0xF7A, s1;
	s8 =	simm.s32 @!p0 $0x1BF5;
	p2 =	por !p2, p0  }
0x20: {  	[sflag:s8] =	ssyncset.s32 @!p0 $0xFFFFF086;
	s6 =	sadd.s32 @!p0 s3, s7;
	s7 =	simm.s32 @!p0 $0x108  }
0x21: {  	s3 =	sadd.s32 s3, s9;
	s6 =	sadd.s32 @!p0 $0x88, s6;
	s7 =	simm.s32 @p2 $0x1082  }
0x22: {  	[simem:s7], [sflag:s8] =	dma.local @!p0 [hbm:s6], $0xF7A  }
0x23: {  	s9 =	sor.u32 $0xD0000000, s2;
	s6 =	simm.s32 $0x108;
	_ =	swait.ge @!p0 [sflag:s8], $0x0  }
0x24: {  	s3 =	sadd.s32 $0x88, s3;
	s6 =	simm.s32 @!p1 $0x1082;
	[sflag:s4] =	ssyncset.s32 $0xFFFFF086  }
0x25: {  	[simem:s6], [sflag:s4] =	dma.local [hbm:s3], $0xF7A  }
0x26: {  	[smem:$0x3F9F] =	sst s1;
	(tag) =	ssettag s2;
	_ =	strace s9  }
0x27: {  	s1 =	sld [smem:$0x3FAF]  }
0x28: {  	s2 =	sld [smem:$0x3FB0]  }
0x29: {  	s4 =	sld [smem:$0x3FB2]  }
0x2a: {  	p0 =	seq.s32 s5, $0x0;
	s5 =	sld [smem:$0x3FB3]  }
0x2b: {  	s6 =	sld [smem:$0x3FB4]  }
0x2c: {  	s7 =	sld [smem:$0x3FB5]  }
0x2d: {  	s3 =	simm.s32 $0x108;
	s8 =	sld [smem:$0x3FB6]  }
0x2e: {  	s3 =	simm.s32 @!p0 $0x1082;
	s9 =	sld [smem:$0x3FB7]  }
0x2f: {  	lr =	sadd.s32 s0, s3;
	s0 =	sld [smem:$0x3FAE]  }
0x30: {  	s3 =	sld [smem:$0x3FB1]  }
0x31: {  	[smem:$0x3FBA] =	sst s10  }
0x32: {  	s10 =	sld [smem:$0x3FB8];
	_ =	sdelay $0x3  }
0x33: {  	p0 =	seq.s32 s10, $0x1;
	s10 =	sld [smem:$0x3FBA];
	_ =	sdelay $0x3  }
0x34: {  	[smem:$0x3FBA] =	sst s10  }
0x35: {  	s10 =	sld [smem:$0x3FB9];
	_ =	sdelay $0x3  }
0x36: {  	p1 =	seq.s32 s10, $0x1;
	s10 =	sld [smem:$0x3FBA];
	_ =	sdelay $0x3  }
0x37: {  	[smem:$0x3FBA] =	sst s10  }
0x38: {  	s10 =	sld [smem:$0x3FBB]  }
0x39: {  	_ = 	snop;
	(pc) =	sbr.ind lr, $3  }
0x3a: {  	_ = 	snop  }
0x3b: {  	_ = 	snop  }
0x3c: {  	p2 =	seq.s32 s10, $0x1;
	s10 =	sld [smem:$0x3FBA]  }
0x3d: {  	_ =	shalt  }
0x3e: {  	_ =	shalt  }
0x3f: {  	_ =	shalt  }
0x40: {  	_ =	shalt  }
0x41: {  	_ =	shalt  }
0x42: {  	_ =	shalt  }
0x43: {  	_ =	shalt  }
0x44: {  	_ =	shalt  }
0x45: {  	_ =	shalt  }
0x46: {  	_ =	shalt  }
0x47: {  	_ =	shalt  }
0x48: {  	_ =	shalt  }
0x49: {  	_ =	shalt  }
0x4a: {  	_ =	shalt  }
0x4b: {  	_ =	shalt  }
0x4c: {  	_ =	shalt  }
0x4d: {  	_ =	shalt  }
0x4e: {  	_ =	shalt  }
0x4f: {  	_ =	shalt  }
0x50: {  	_ =	shalt  }
0x51: {  	_ =	shalt  }
0x52: {  	_ =	shalt  }
0x53: {  	_ =	shalt  }
0x54: {  	_ =	shalt  }
0x55: {  	_ =	shalt  }
0x56: {  	_ =	shalt  }
0x57: {  	_ =	shalt  }
0x58: {  	_ =	shalt  }
0x59: {  	_ =	shalt  }
0x5a: {  	_ =	shalt  }
0x5b: {  	_ =	shalt  }
0x5c: {  	_ =	shalt  }
0x5d: {  	_ =	shalt  }
0x5e: {  	_ =	shalt  }
0x5f: {  	_ =	shalt  }
0x60: {  	_ =	shalt  }
0x61: {  	_ =	shalt  }
0x62: {  	_ =	shalt  }
0x63: {  	_ =	shalt  }
0x64: {  	_ =	shalt  }
0x65: {  	_ =	shalt  }
0x66: {  	_ =	shalt  }
0x67: {  	_ =	shalt  }
0x68: {  	_ =	shalt  }
0x69: {  	_ =	shalt  }
0x6a: {  	_ =	shalt  }
0x6b: {  	_ =	shalt  }
0x6c: {  	_ =	shalt  }
0x6d: {  	_ =	shalt  }
0x6e: {  	_ =	shalt  }
0x6f: {  	_ =	shalt  }
0x70: {  	_ =	shalt  }
0x71: {  	_ =	shalt  }
0x72: {  	_ =	shalt  }
0x73: {  	_ =	shalt  }
0x74: {  	_ =	shalt  }
0x75: {  	_ =	shalt  }
0x76: {  	_ =	shalt  }
0x77: {  	_ =	shalt  }
0x78: {  	_ =	shalt  }
0x79: {  	_ =	shalt  }
0x7a: {  	_ =	shalt  }
0x7b: {  	_ =	shalt  }
0x7c: {  	_ =	shalt  }
0x7d: {  	_ =	shalt  }
0x7e: {  	_ =	shalt  }
0x7f: {  	_ =	shalt  }
0x80: {  	_ =	shalt  }
0x81: {  	_ =	shalt  }
0x82: {  	_ =	shalt  }
0x83: {  	_ =	shalt  }
0x84: {  	_ =	shalt  }
0x85: {  	_ =	shalt  }
0x86: {  	_ =	shalt  }
0x87: {  	_ =	shalt  }
.Lfunc_end0:
.L_simem_size_0:
called_computation_lowered:
.L_overlay_start_0:
0x88: {  	s2 =	sld [smem:$0x3FD9]  }
0x89: {  	s3 =	sld [smem:$0x3FFE];
	_ =	sdelay $0x1  }
0x8a: {  	s1 =	srdreg.scid  }
0x8b: {  	s0 =	sand.u32 $0x1, s1  }
0x8c: {  	s17 =	sshll.u32 s0, $0xA;
	s2 =	sadd.s32 s3, s2  }
0x8d: {  	s2 =	sadd.s32 s2, s17  }
0x8e: {  	[smem:$0x3FC6] =	sst s2  }
0x8f: {  	_ = 	snop  }
0x90: {  	s2 =	sld [smem:$0x3FC9]  }
0x91: {  	s18 =	sld [smem:$0x3FD0];
	(tm) =	ssettm $0x1  }
0x92: {  	s4 =	sld [smem:$0x3FFB];
	_ =	sdelay $0x3  }
0x93: {  	_ =	strace s4  }
0x94: {  	s4 =	sld [smem:$0x3FFC];
	_ =	sdelay $0x3  }
0x95: {  	_ =	strace s4  }
0x96: {  	s4 =	sld [smem:$0x3FFD];
	_ =	sdelay $0x3  }
0x97: {  	_ =	strace s4  }
0x98: {  	_ =	strace $0x8FFFFFFF  }
0x99: {  	s19 =	sld [smem:$0x3FDB];
	_ =	sdelay $0x1  }
0x9a: {  	s5 =	simm.s32 $_scs_section_size  }
0x9b: {  	s6 =	simm.s32 $_size__tile_overlayer_lowered;
	s7 =	simm.s32 $_tile_overlayer_lowered  }
0x9c: {  	s22 =	simm.s32 $0x1BFF;
	s21 =	sshll.u32 s7, $0x1;
	s4 =	sadd.s32 s5, s19  }
0x9d: {  	s8 =	simm.s32 $0x0;
	s20 =	sshll.u32 s6, $0x1;
	s6 =	sadd.s32 s21, s4  }
0x9e: {  	[timem:s8], [sflag:s22] =	dma.local [hbm:s6], s20  }
0x9f: {  	_ =	swait.ge [sflag:s22], s20  }
0xa0: {  	s5 =	ssub.s32 $0x0, s20;
	[sflag:s22] =	ssyncset.done $0x0  }
0xa1: {  	[sflag:s22] =	ssyncadd.s32 s5;
	_ =	sdelay $0x1  }
0xa2: {  	s23 =	simm.s32 $0x1B8B  }
0xa3: {  	_ =	swait.ge [sflag:s23], $0x1  }
0xa4: {  	[sflag:s23] =	ssyncset.done $0x0  }
0xa5: {  	s25 =	simm.s32 $0x1B8E;
	s24 =	sld [smem:$0x3FFE];
	[sflag:s23] =	ssyncadd.s32 $0xFFFFFFFF  }
0xa6: {  	s26 =	simm.s32 $execute0_lowered;
	[smem:$0x3FD2] =	sst s25  }
0xa7: {  	s6 =	sshll.u32 s26, $0x1;
	_ =	strace $0x80000046;
	[dreg:$0x1] =	wrdreg $0xFFFFFFFF  }
0xa8: {  	s28 =	simm.s32 $_size_execute0_lowered;
	s4 =	sadd.s32 s4, s6;
	[dreg:$0x0] =	wrdreg $0x0  }
0xa9: {  	s6 =	sshll.u32 s28, $0x1;
	[dreg:$0x2] =	wrdreg s4  }
0xaa: {  	[dreg:$0x3] =	wrdreg s6  }
0xab: {  	[dreg:$0x4] =	wrdreg $0xC0  }
0xac: {  	_ =	task [dreg:s8], $0x5FFFF  }
0xad: {  	[dreg:$0x1] =	wrdreg $0xFFFFFFFF  }
0xae: {  	[dreg:$0x0] =	wrdreg $0x60  }
0xaf: {  	[dreg:$0x2] =	wrdreg s2  }
0xb0: {  	[dreg:$0x3] =	wrdreg s24  }
0xb1: {  	[dreg:$0x4] =	wrdreg s18  }
0xb2: {  	[dreg:$0x5] =	wrdreg $0x9  }
0xb3: {  	_ =	task.clear_ibuf [dreg:s8], $0x6FFFF;
	_ =	strace $0x90000046  }
0xb4: {  	s29 =	simm.s32 $0x9;
	_ =	strace $0x80000048  }
0xb5: {  	_ =	swait.ge [sflag:s29], $0x1  }
0xb6: {  	[sflag:s29] =	ssyncadd.s32 $0xFFFFFFFF  }
0xb7: {  	_ =	strace $0x90000048  }
0xb8: {  	_ =	sfence  }
0xb9: {  	s30 =	sld [smem:$0x0];
	_ =	sdelay $0x2  }
0xba: {  	s31 =	sshll.u32 s1, $0xD;
	s1 =	sshrl.u32 s1, $0x2  }
0xbb: {  	s3 =	sand.u32 $0x4000, s31;
	s1 =	sadd.s32 s1, s30  }
0xbc: {  	s0 =	sor.u32 s3, s0;
	s1 =	sshll.u32 s1, $0x11  }
0xbd: {  	s0 =	sor.u32 s1, s0  }
0xbe: {  	s0 =	sadd.s32 $0x8F2B, s0  }
0xbf: {  	[sflag:s0] =	ssyncadd.remote.s32 $0x1  }
0xc0: {  	_ =	sfence.sel $0xFFFF  }
0xc1: {  	[dreg:$0x0] =	wrdreg $0xFFFFFFFF;
	(pc) =	sbr.abs _section_cstart, $3  }
0xc2: {  	[dreg:$0x1] =	wrdreg $0xFFFFFFFF  }
0xc3: {  	_ =	task.clear_ibuf [dreg:s8], $0x2FFFF;
	_ =	strace $0x9FFFFFFF  }
0xc4: {  	(tm) =	ssettm $0x7FFFFFFF  }
0xc5: {  	_ =	shalt  }
tec
execute0_lowered:
.L_overlay_start_1:
0x0: {  	(tag) =	ssettag $0x1  }
0x1: {  	s0 =	rddreg [dreg:$0x0]  }
0x2: {  	s1 =	rddreg [dreg:$0x1]  }
0x3: {  	s2 =	rddreg [dreg:$0x2]  }
0x4: {  	s4 =	simm.s32 $0x0;
	s3 =	srdreg.scid;
	s5 =	stileid.u32  }
0x5: {  	s8 =	simm.s32 $0x80;
	s9 =	simm.s32 $0x400;
	s10 =	simm.s32 $0x1  }
0x6: {  	s12 =	simm.s32 $0xC00;
	s13 =	simm.s32 $0x20000;
	s3 =	sand.u32 $0x1, s3  }
0x7: {  	s5 =	sshll.u32 s5, $0xA;
	s29 =	ssub.s32 $0x2, s3;
	s3 =	sshll.u32 s3, $0x9  }
0x8: {  	s14 =	simm.s32 $0x5;
	s15 =	simm.s32 $0x6;
	s5 =	sor.u32 s3, s5  }
0x9: {  	[smem:$0x7FF] =	sst s4;
	s6 =	sshrl.u32 s29, $0x1;
	s4 =	sadd.s32 s0, s5  }
0xa: {  	s16 =	simm.s32 $0x0;
	s30 =	ssub.s32 s29, s6;
	s0 =	sadd.s32 $0x10, s4  }
0xb: {  	v0 =	vlaneseq.u32;
	_ =	strace $0x80000047;
	s31 =	smax.u32 s30, $0x1;
	[dreg:$0x4] =	wrdreg s0  }
0xc: {  	v0 =	vmul.u32 $0x80, v0;
	s3 =	sadd.s32 $0xF42800, s1;
	s6 =	sadd.s32 s2, s5;
	[dreg:$0x5] =	wrdreg s31  }
.LBB2_1:
0xd: {  	s0 =	simm.s32 $0x0  }
0xe: {  	[tilespmem:s0], [sflag:$0x1] =	stream.strided.gather [hbm4b:s4+s8], $0x200, s9, s8, $0x38;
	[tilespmem:$0xAC00] =	vst v63  }
0xf: {  	_ =	swait.ge [sflag:s10], $0x200  }
0x10: {  	[sflag:s10] =	ssyncset.done $0x0  }
0x11: {  	s2 =	simm.s32 $0x40;
	[sflag:s10] =	ssyncadd.s32 $0xFFFFFE00  }
0x12: {  	v1 =	vld [tilespmem:s2+$0x30]  }
0x13: {  	v3 =	vld [tilespmem:s2+$0xFFFFFFE0];
	_ =	sdelay $0x1  }
0x14: {  	v2 =	vld [tilespmem:s2+$0xFFFFFFD0];
	_ =	sdelay $0x1  }
0x15: {  	s0 =	simm.s32 $0x440;
	v4 =	vshrl.u32 v1, $0x2  }
0x16: {  	v5 =	vld [tilespmem:s2+$0xFFFFFFF0];
	v7 =	vshrl.u32 v3, $0x2;
	[tilespmem:s0+$0x30] =	vst v4  }
0x17: {  	s1 =	simm.s32 $0x840;
	v6 =	vld [tilespmem:s2+$0xFFFFFFC0];
	v1 =	vand.u32 $0x3, v1;
	[tilespmem:s0+$0xFFFFFFE0] =	vst v7  }
0x18: {  	v4 =	vshrl.u32 v2, $0x2;
	[tilespmem:s1+$0x30] =	vst v1;
	v1 =	vld [tilespmem:s2+$0x0]  }
0x19: {  	v2 =	vand.u32 $0x3, v2;
	[tilespmem:s0+$0xFFFFFFD0] =	vst v4;
	v4 =	vld [tilespmem:s2+$0x10]  }
0x1a: {  	v8 =	vld [tilespmem:s2+$0x20];
	[tilespmem:s1+$0xFFFFFFD0] =	vst v2;
	v2 =	vand.u32 $0x3, v3  }
0x1b: {  	v3 =	vshrl.u32 v5, $0x2;
	[tilespmem:s1+$0xFFFFFFE0] =	vst v2  }
0x1c: {  	v2 =	vshrl.u32 v6, $0x2;
	[tilespmem:s0+$0xFFFFFFF0] =	vst v3  }
0x1d: {  	v7 =	vand.u32 $0x3, v5;
	v3 =	vand.u32 $0x3, v6;
	[tilespmem:s0+$0xFFFFFFC0] =	vst v2  }
0x1e: {  	[tilespmem:s1+$0xFFFFFFF0] =	vst v7;
	v6 =	vshrl.u32 v1, $0x2;
	v5 =	vand.u32 $0x3, v1;
	v2 =	vshrl.u32 v4, $0x2  }
0x1f: {  	s5 =	simm.s32 $0xC0;
	s2 =	simm.s32 $0x0;
	[tilespmem:s1+$0xFFFFFFC0] =	vst v3;
	v3 =	vand.u32 $0x3, v4;
	v4 =	vshrl.u32 v8, $0x2;
	v1 =	vand.u32 $0x3, v8  }
.LBB2_2:
0x20: {  	v7 =	vld [tilespmem:s5+$0x30];
	[tilespmem:s0+$0x0] =	vst v6  }
0x21: {  	s2 =	sadd.s32 $0x8, s2;
	v6 =	vld [tilespmem:s5+$0xFFFFFFD0];
	[tilespmem:s1+$0x0] =	vst v5  }
0x22: {  	p0 =	slt.u32 s2, $0x18;
	v5 =	vld [tilespmem:s5+$0xFFFFFFE0];
	[tilespmem:s0+$0x10] =	vst v2  }
0x23: {  	v2 =	vld [tilespmem:s5+$0xFFFFFFF0];
	[tilespmem:s1+$0x10] =	vst v3  }
0x24: {  	v3 =	vld [tilespmem:s5+$0x0];
	[tilespmem:s0+$0x20] =	vst v4  }
0x25: {  	s0 =	sadd.s32 $0x80, s0;
	v4 =	vld [tilespmem:s5+$0x10];
	v8 =	vshrl.u32 v7, $0x2;
	[tilespmem:s1+$0x20] =	vst v1  }
0x26: {  	v7 =	vand.u32 $0x3, v7;
	s1 =	sadd.s32 $0x80, s1;
	v1 =	vshrl.u32 v6, $0x2;
	v6 =	vand.u32 $0x3, v6;
	v9 =	vld [tilespmem:s5+$0x20];
	[tilespmem:s0+$0x30] =	vst v8  }
0x27: {  	v8 =	vld [tilespmem:s5+$0xFFFFFFC0];
	v10 =	vshrl.u32 v5, $0x2;
	v11 =	vand.u32 $0x3, v5;
	[tilespmem:s1+$0x30] =	vst v7  }
0x28: {  	[tilespmem:s0+$0xFFFFFFD0] =	vst v1;
	v7 =	vshrl.u32 v2, $0x2;
	v12 =	vand.u32 $0x3, v2  }
0x29: {  	[tilespmem:s1+$0xFFFFFFD0] =	vst v6;
	v6 =	vshrl.u32 v3, $0x2;
	v5 =	vand.u32 $0x3, v3  }
0x2a: {  	[tilespmem:s0+$0xFFFFFFE0] =	vst v10;
	v2 =	vshrl.u32 v4, $0x2;
	v3 =	vand.u32 $0x3, v4  }
.Ltmp0:
0x2b: {  	[tilespmem:s1+$0xFFFFFFE0] =	vst v11;
	v4 =	vshrl.u32 v9, $0x2;
	v1 =	vand.u32 $0x3, v9;
	(pc) =	sbr.rel @p0 .LBB2_2-.Ltmp0, $4  }
0x2c: {  	v9 =	vshrl.u32 v8, $0x2;
	v8 =	vand.u32 $0x3, v8;
	[tilespmem:s0+$0xFFFFFFF0] =	vst v7  }
0x2d: {  	[tilespmem:s0+$0xFFFFFFC0] =	vst v9  }
0x2e: {  	[tilespmem:s1+$0xFFFFFFC0] =	vst v8  }
0x2f: {  	s5 =	sadd.s32 $0x80, s5;
	[tilespmem:s1+$0xFFFFFFF0] =	vst v12  }
0x30: {  	[tilespmem:s0+$0x0] =	vst v6  }
0x31: {  	[tilespmem:s0+$0x10] =	vst v2  }
0x32: {  	[tilespmem:s0+$0x20] =	vst v4  }
0x33: {  	[tilespmem:s1+$0x0] =	vst v5  }
0x34: {  	[tilespmem:s1+$0x10] =	vst v3  }
0x35: {  	[tilespmem:s1+$0x20] =	vst v1  }
0x36: {  	s31 =	simm.s32 $0x200;
	s0 =	rddreg [dreg:$0x4]  }
0x37: {  	[tilespmem:s31], [sflag:$0x2] =	stream.strided.gather [hbm4b:s0+s8], $0x200, s9, s8, $0x38;
	[tilespmem:$0xAC00] =	vst v63  }
0x38: {  	s21 =	simm.s32 $0x0;
	s17 =	simm.s32 $0x1;
	p0 =	por $0x0, $0x0  }
0x39: {  	[tilespmem:s12], [sflag:$0x3] =	stream.indirect.gather [hbm4b:s3+s8], $0x80, s9, s8, $0xb8;
	[tilespmem:$0xAC00] =	vst v63  }
.LBB2_4:
0x3a: {  	p1 =	seq.s32 s21, $0x18F;
	s0 =	sand.u32 $0x3, s21  }
0x3b: {  	p2 =	sne.s32 @!p1 s0, $0x3  }
0x3c: {  	p2 =	por p1, p2  }
.Ltmp1:
0x3d: {  	_ = 	snop;
	(pc) =	sbr.rel @p2 .LBB2_9-.Ltmp1, $2  }
0x3e: {  	_ =	sdelay $0x2  }
0x3f: {  	s18 =	sadd.s32 $0x1, s21  }
0x40: {  	s1 =	sshrl.u32 s18, $0x2  }
0x41: {  	s2 =	sand.u32 $0x1, s1  }
0x42: {  	s2 =	sadd.s32 $0x1, s2  }
0x43: {  	s5 =	sshll.u32 s17, $0x7;
	_ =	swait.ge [sflag:s2], $0x200  }
0x44: {  	s5 =	sand.u32 $0x200, s5;
	[sflag:s2] =	ssyncset.done $0x0  }
0x45: {  	s11 =	sor.u32 $0x40, s5;
	[sflag:s2] =	ssyncadd.s32 $0xFFFFFE00  }
0x46: {  	v1 =	vld [tilespmem:s11+$0x30]  }
0x47: {  	v3 =	vld [tilespmem:s11+$0xFFFFFFE0];
	_ =	sdelay $0x1  }
0x48: {  	v2 =	vld [tilespmem:s11+$0xFFFFFFD0];
	_ =	sdelay $0x1  }
0x49: {  	s2 =	sor.u32 $0x440, s5;
	v4 =	vshrl.u32 v1, $0x2  }
0x4a: {  	v5 =	vld [tilespmem:s11+$0xFFFFFFF0];
	v7 =	vshrl.u32 v3, $0x2;
	[tilespmem:s2+$0x30] =	vst v4  }
0x4b: {  	s5 =	sor.u32 $0x840, s5;
	v6 =	vld [tilespmem:s11+$0xFFFFFFC0];
	v1 =	vand.u32 $0x3, v1;
	[tilespmem:s2+$0xFFFFFFE0] =	vst v7  }
0x4c: {  	v4 =	vshrl.u32 v2, $0x2;
	[tilespmem:s5+$0x30] =	vst v1;
	v1 =	vld [tilespmem:s11+$0x0]  }
0x4d: {  	v2 =	vand.u32 $0x3, v2;
	[tilespmem:s2+$0xFFFFFFD0] =	vst v4;
	v4 =	vld [tilespmem:s11+$0x10]  }
0x4e: {  	v8 =	vld [tilespmem:s11+$0x20];
	[tilespmem:s5+$0xFFFFFFD0] =	vst v2;
	v2 =	vand.u32 $0x3, v3  }
0x4f: {  	v3 =	vshrl.u32 v5, $0x2;
	[tilespmem:s5+$0xFFFFFFE0] =	vst v2  }
0x50: {  	v2 =	vshrl.u32 v6, $0x2;
	[tilespmem:s2+$0xFFFFFFF0] =	vst v3  }
0x51: {  	v7 =	vand.u32 $0x3, v5;
	v3 =	vand.u32 $0x3, v6;
	[tilespmem:s2+$0xFFFFFFC0] =	vst v2  }
0x52: {  	[tilespmem:s5+$0xFFFFFFF0] =	vst v7;
	v6 =	vshrl.u32 v1, $0x2;
	v5 =	vand.u32 $0x3, v1;
	v2 =	vshrl.u32 v4, $0x2  }
0x53: {  	s7 =	simm.s32 $0x0;
	s11 =	sadd.s32 $0x80, s11;
	[tilespmem:s5+$0xFFFFFFC0] =	vst v3;
	v3 =	vand.u32 $0x3, v4;
	v4 =	vshrl.u32 v8, $0x2;
	v1 =	vand.u32 $0x3, v8  }
.LBB2_6:
0x54: {  	v7 =	vld [tilespmem:s11+$0x30];
	[tilespmem:s2+$0x0] =	vst v6  }
0x55: {  	s7 =	sadd.s32 $0x8, s7;
	v6 =	vld [tilespmem:s11+$0xFFFFFFD0];
	[tilespmem:s5+$0x0] =	vst v5  }
0x56: {  	p2 =	slt.u32 s7, $0x18;
	v5 =	vld [tilespmem:s11+$0xFFFFFFE0];
	[tilespmem:s2+$0x10] =	vst v2  }
0x57: {  	v2 =	vld [tilespmem:s11+$0xFFFFFFF0];
	[tilespmem:s5+$0x10] =	vst v3  }
0x58: {  	v3 =	vld [tilespmem:s11+$0x0];
	[tilespmem:s2+$0x20] =	vst v4  }
0x59: {  	s2 =	sadd.s32 $0x80, s2;
	v4 =	vld [tilespmem:s11+$0x10];
	v8 =	vshrl.u32 v7, $0x2;
	[tilespmem:s5+$0x20] =	vst v1  }
0x5a: {  	v7 =	vand.u32 $0x3, v7;
	s5 =	sadd.s32 $0x80, s5;
	v1 =	vshrl.u32 v6, $0x2;
	v6 =	vand.u32 $0x3, v6;
	v9 =	vld [tilespmem:s11+$0x20];
	[tilespmem:s2+$0x30] =	vst v8  }
0x5b: {  	v8 =	vld [tilespmem:s11+$0xFFFFFFC0];
	v10 =	vshrl.u32 v5, $0x2;
	v11 =	vand.u32 $0x3, v5;
	[tilespmem:s5+$0x30] =	vst v7  }
0x5c: {  	[tilespmem:s2+$0xFFFFFFD0] =	vst v1;
	v7 =	vshrl.u32 v2, $0x2;
	v12 =	vand.u32 $0x3, v2  }
0x5d: {  	[tilespmem:s5+$0xFFFFFFD0] =	vst v6;
	v6 =	vshrl.u32 v3, $0x2;
	v5 =	vand.u32 $0x3, v3  }
0x5e: {  	[tilespmem:s2+$0xFFFFFFE0] =	vst v10;
	v2 =	vshrl.u32 v4, $0x2;
	v3 =	vand.u32 $0x3, v4  }
.Ltmp2:
0x5f: {  	[tilespmem:s5+$0xFFFFFFE0] =	vst v11;
	v4 =	vshrl.u32 v9, $0x2;
	v1 =	vand.u32 $0x3, v9;
	(pc) =	sbr.rel @p2 .LBB2_6-.Ltmp2, $4  }
0x60: {  	v9 =	vshrl.u32 v8, $0x2;
	v8 =	vand.u32 $0x3, v8;
	[tilespmem:s2+$0xFFFFFFF0] =	vst v7  }
0x61: {  	[tilespmem:s2+$0xFFFFFFC0] =	vst v9  }
0x62: {  	[tilespmem:s5+$0xFFFFFFC0] =	vst v8  }
0x63: {  	s11 =	sadd.s32 $0x80, s11;
	[tilespmem:s5+$0xFFFFFFF0] =	vst v12  }
0x64: {  	[tilespmem:s2+$0x0] =	vst v6;
	p2 =	sgt.u32 s21, $0x18A  }
.Ltmp3:
0x65: {  	[tilespmem:s2+$0x10] =	vst v2;
	(pc) =	sbr.rel @p2 .LBB2_9-.Ltmp3, $4  }
0x66: {  	[tilespmem:s2+$0x20] =	vst v4  }
0x67: {  	[tilespmem:s5+$0x0] =	vst v5  }
0x68: {  	[tilespmem:s5+$0x10] =	vst v3  }
0x69: {  	[tilespmem:s5+$0x20] =	vst v1  }
0x6a: {  	s1 =	sadd.s32 $0x1, s1  }
.Ltmp4:
0x6b: {  	s2 =	sshll.u32 s1, $0xB;
	s5 =	sshll.u32 s1, $0x4;
	(pc) =	sbr.rel .LBB2_10-.Ltmp4, $4  }
0x6c: {  	s2 =	sand.u32 $0xFC000, s2;
	s5 =	sand.u32 $0x70, s5  }
0x6d: {  	s1 =	sand.u32 $0x1, s1;
	s2 =	sor.u32 s5, s2  }
0x6e: {  	s31 =	sshll.u32 s1, $0x9;
	s1 =	sadd.s32 $0x1, s1;
	s2 =	sadd.s32 s2, s4  }
0x6f: {  	[tilespmem:s31], [sflag:s1] =	stream.strided.gather [hbm4b:s2+s8], $0x200, s9, s8, $0x38;
	[tilespmem:$0xAC00] =	vst v63  }
.LBB2_9:
.Ltmp5:
0x70: {  	(pc) =	sbr.rel @p1 .LBB2_11-.Ltmp5, $1  }
0x71: {  	_ =	sdelay $0x3  }
.LBB2_10:
0x72: {  	s1 =	sand.u32 $0x1, s18;
	s2 =	sshll.u32 s18, $0x7  }
0x73: {  	s5 =	sshll.u32 s1, $0xE;
	s2 =	sand.u32 $0x380, s2  }
0x74: {  	s1 =	sadd.s32 $0x3, s1;
	s5 =	sor.u32 $0xC00, s5;
	s2 =	sor.u32 $0x400, s2  }
0x75: {  	[tilespmem:s5], [sflag:s1] =	stream.indirect.gather [hbm4b:s3+s8], $0x80, s2, s8, $0xb8;
	[tilespmem:$0xAC00] =	vst v63  }
.LBB2_11:
0x76: {  	s19 =	sand.u32 $0x1, s21  }
0x77: {  	s1 =	sadd.s32 $0x3, s19  }
0x78: {  	_ =	swait.ge [sflag:s1], $0x4000  }
0x79: {  	p1 =	slt.u32 s21, $0x2;
	[sflag:s1] =	ssyncset.done $0x0  }
0x7a: {  	[sflag:s1] =	ssyncadd.s32 $0xFFFFC000;
	s1 =	sadd.s32 @!p1 $0x5, s19  }
0x7b: {  	s2 =	sshll.u32 s21, $0x7;
	_ =	swait.ge @!p1 [sflag:s1], $0x1000  }
0x7c: {  	s20 =	sshll.u32 s0, $0x7;
	s2 =	sand.u32 $0x200, s2;
	[sflag:s1] =	ssyncset.done @!p1 $0x0  }
0x7d: {  	s2 =	sor.u32 s20, s2;
	[sflag:s1] =	ssyncadd.s32 @!p1 $0xFFFFF000  }
0x7e: {  	v1 =	vld [tilespmem:s2+$0x800];
	_ =	sdelay $0x2  }
0x7f: {  	s1 =	sshll.u32 s19, $0x7  }
0x80: {  	v2 =	vmov s1  }
0x81: {  	v2 =	vshll.u32 v2, $0x7;
	v1 =	vshll.u32 v1, $0x5  }
0x82: {  	v3 =	vld [tilespmem:s2+$0x810];
	v2 =	vor.u32 v0, v2;
	v4 =	vand.u32 $0xFFFFFF80, v1  }
0x83: {  	v1 =	vand.u32 $0x60, v1;
	v2 =	vadd.s32 v2, v4  }
0x84: {  	s0 =	simm.s32 $0x1;
	v1 =	vor.u32 v1, v2  }
0x85: {  	s5 =	sor.u32 $0x10, s1;
	v4 =	vor.u32 s0, v1  }
0x86: {  	v2 =	vmov s5  }
0x87: {  	v3 =	vshll.u32 v3, $0x5;
	v2 =	vshll.u32 v2, $0x7  }
0x88: {  	v5 =	vld [tilespmem:s2+$0x820];
	v6 =	vand.u32 $0xFFFFFF80, v3;
	v2 =	vor.u32 v0, v2  }
0x89: {  	v3 =	vand.u32 $0x60, v3;
	v2 =	vadd.s32 v2, v6  }
0x8a: {  	v2 =	vor.u32 v3, v2;
	v3 =	vld.idx.msk [tilespmem:v4+s12+$0x0], $0xffff  }
0x8b: {  	s11 =	simm.s32 $0x0;
	v7 =	vld [tilespmem:s2+$0x830];
	s7 =	sor.u32 $0x20, s1;
	s5 =	simm.s32 $0x1;
	v8 =	vor.u32 s0, v2  }
0x8c: {  	v9 =	vld [tilespmem:s2+$0x850];
	s5 =	simm.s32 @!p0 $0x0;
	v10 =	vor.u32 s11, v1;
	v4 =	vmov s7  }
0x8d: {  	v11 =	vld [tilespmem:s2+$0x860];
	v5 =	vshll.u32 v5, $0x5;
	s5 =	sshll.u32 s5, $0xC;
	v4 =	vshll.u32 v4, $0x7  }
0x8e: {  	v12 =	vld [tilespmem:s2+$0x870];
	v13 =	vand.u32 $0xFFFFFF80, v5;
	s24 =	sor.u32 $0x8C80, s5;
	v4 =	vor.u32 v0, v4  }
0x8f: {  	v5 =	vand.u32 $0x60, v5;
	v6 =	vld [tilespmem:s2+$0x840];
	v4 =	vadd.s32 v4, v13;
	[tilespmem:s24+$0x0] =	vst v3  }
0x90: {  	v4 =	vor.u32 v5, v4;
	v3 =	vld.idx.msk [tilespmem:v8+s12+$0x0], $0xffff  }
0x91: {  	s25 =	sor.u32 $0x30, s1;
	v5 =	vld.idx.msk [tilespmem:v10+s12+$0x0], $0xffff;
	v8 =	vor.u32 s0, v4  }
0x92: {  	s29 =	simm.s32 $0x3;
	v13 =	vor.u32 s11, v2;
	v10 =	vmov s25  }
0x93: {  	v7 =	vshll.u32 v7, $0x5;
	v14 =	vor.u32 s29, v1;
	v10 =	vshll.u32 v10, $0x7  }
0x94: {  	v15 =	vand.u32 $0xFFFFFF80, v7;
	v10 =	vor.u32 v0, v10  }
0x95: {  	s23 =	simm.s32 $0x2;
	v7 =	vand.u32 $0x60, v7;
	v10 =	vadd.s32 v10, v15;
	[tilespmem:s24+$0x10] =	vst v3  }
0x96: {  	[tilespmem:s24+$0xFFFFFF80] =	vst v5;
	v3 =	vor.u32 v7, v10;
	v7 =	vor.u32 s23, v1;
	v5 =	vld.idx.msk [tilespmem:v8+s12+$0x0], $0xffff  }
0x97: {  	s26 =	sor.u32 $0x40, s1;
	v8 =	vld.idx.msk [tilespmem:v13+s12+$0x0], $0xffff;
	v10 =	vor.u32 s0, v3  }
0x98: {  	v14 =	vld.idx.msk [tilespmem:v14+s12+$0x0], $0xffff;
	v15 =	vor.u32 s11, v4;
	v13 =	vmov s26  }
0x99: {  	v16 =	vor.u32 s29, v2;
	v6 =	vshll.u32 v6, $0x5;
	v13 =	vshll.u32 v13, $0x7  }
0x9a: {  	v17 =	vand.u32 $0xFFFFFF80, v6;
	v13 =	vor.u32 v0, v13  }
0x9b: {  	v6 =	vand.u32 $0x60, v6;
	v13 =	vadd.s32 v13, v17;
	v7 =	vld.idx.msk [tilespmem:v7+s12+$0x0], $0xffff;
	[tilespmem:s24+$0x20] =	vst v5  }
0x9c: {  	s5 =	sor.u32 $0x50, s1;
	s22 =	sadd.s32 $0x100, s24;
	v5 =	vor.u32 v6, v13;
	[tilespmem:s24+$0xFFFFFF90] =	vst v8;
	v6 =	vor.u32 s23, v2;
	v8 =	vld.idx.msk [tilespmem:v10+s12+$0x0], $0xffff  }
0x9d: {  	[tilespmem:s22+$0x0] =	vst v14;
	v14 =	vmov s5;
	v10 =	vld.idx.msk [tilespmem:v15+s12+$0x0], $0xffff;
	v13 =	vor.u32 s0, v5  }
0x9e: {  	v9 =	vshll.u32 v9, $0x5;
	v16 =	vld.idx.msk [tilespmem:v16+s12+$0x0], $0xffff;
	v14 =	vshll.u32 v14, $0x7;
	v15 =	vor.u32 s11, v3  }
0x9f: {  	v18 =	vand.u32 $0xFFFFFF80, v9;
	s25 =	simm.s32 $0x4;
	v14 =	vor.u32 v0, v14;
	v17 =	vor.u32 s29, v4  }
0xa0: {  	v14 =	vadd.s32 v14, v18;
	v18 =	vor.u32 s25, v1;
	s26 =	simm.s32 $0x5;
	[tilespmem:s22+$0xFFFFFF80] =	vst v7  }
0xa1: {  	v9 =	vand.u32 $0x60, v9;
	v7 =	vor.u32 s26, v1;
	v19 =	vld.idx.msk [tilespmem:v6+s12+$0x0], $0xffff;
	[tilespmem:s24+$0x30] =	vst v8  }
0xa2: {  	v6 =	vor.u32 v9, v14;
	v9 =	vor.u32 s23, v4;
	[tilespmem:s24+$0xFFFFFFA0] =	vst v10;
	v8 =	vld.idx.msk [tilespmem:v13+s12+$0x0], $0xffff  }
0xa3: {  	s7 =	sor.u32 $0x60, s1;
	[tilespmem:s22+$0x10] =	vst v16;
	v10 =	vld.idx.msk [tilespmem:v15+s12+$0x0], $0xffff;
	v13 =	vor.u32 s0, v6  }
0xa4: {  	v16 =	vor.u32 s11, v5;
	v14 =	vmov s7;
	v15 =	vld.idx.msk [tilespmem:v17+s12+$0x0], $0xffff  }
0xa5: {  	v11 =	vshll.u32 v11, $0x5;
	v20 =	vor.u32 s29, v3;
	v18 =	vld.idx.msk [tilespmem:v18+s12+$0x0], $0xffff;
	v14 =	vshll.u32 v14, $0x7  }
0xa6: {  	v14 =	vor.u32 v0, v14;
	v17 =	vld.idx.msk [tilespmem:v7+s12+$0x0], $0xffff;
	v7 =	vand.u32 $0xFFFFFF80, v11;
	[tilespmem:s22+$0xFFFFFF90] =	vst v19  }
0xa7: {  	v11 =	vand.u32 $0x60, v11;
	v19 =	vor.u32 s26, v2;
	v7 =	vadd.s32 v14, v7;
	v9 =	vld.idx.msk [tilespmem:v9+s12+$0x0], $0xffff;
	[tilespmem:s24+$0x40] =	vst v8  }
0xa8: {  	s30 =	simm.s32 $0x6;
	v7 =	vor.u32 v11, v7;
	v11 =	vor.u32 s25, v2;
	[tilespmem:s24+$0xFFFFFFB0] =	vst v10;
	v10 =	vld.idx.msk [tilespmem:v13+s12+$0x0], $0xffff  }
0xa9: {  	v8 =	vor.u32 s30, v1;
	[tilespmem:s22+$0x20] =	vst v15;
	v13 =	vld.idx.msk [tilespmem:v16+s12+$0x0], $0xffff  }
0xaa: {  	s28 =	sadd.s32 $0x100, s22;
	s1 =	sor.u32 $0x70, s1;
	v14 =	vor.u32 s0, v7;
	v16 =	vld.idx.msk [tilespmem:v20+s12+$0x0], $0xffff  }
0xab: {  	v15 =	vmov s1;
	[tilespmem:s28+$0x0] =	vst v17;
	v17 =	vor.u32 s23, v3  }
0xac: {  	v12 =	vshll.u32 v12, $0x5;
	[tilespmem:s28+$0xFFFFFF80] =	vst v18;
	v15 =	vshll.u32 v15, $0x7;
	v20 =	vor.u32 s29, v5;
	v19 =	vld.idx.msk [tilespmem:v19+s12+$0x0], $0xffff  }
0xad: {  	v21 =	vand.u32 $0xFFFFFF80, v12;
	v18 =	vor.u32 s11, v6;
	v15 =	vor.u32 v0, v15;
	v11 =	vld.idx.msk [tilespmem:v11+s12+$0x0], $0xffff;
	[tilespmem:s22+$0xFFFFFFA0] =	vst v9  }
0xae: {  	s31 =	simm.s32 $0x7;
	v22 =	vld.idx.msk [tilespmem:v8+s12+$0x0], $0xffff;
	v8 =	vand.u32 $0x60, v12;
	v12 =	vadd.s32 v15, v21;
	v15 =	vor.u32 s26, v4;
	[tilespmem:s24+$0x50] =	vst v10  }
0xaf: {  	v10 =	vor.u32 s31, v1;
	[tilespmem:s22+$0x30] =	vst v16;
	v9 =	vld.idx.msk [tilespmem:v14+s12+$0x0], $0xffff  }
0xb0: {  	v8 =	vor.u32 v8, v12;
	[tilespmem:s24+$0xFFFFFFC0] =	vst v13;
	v13 =	vor.u32 s25, v4;
	v12 =	vld.idx.msk [tilespmem:v17+s12+$0x0], $0xffff  }
0xb1: {  	v14 =	vor.u32 s0, v8;
	v16 =	vld.idx.msk [tilespmem:v20+s12+$0x0], $0xffff  }
0xb2: {  	v17 =	vld.idx.msk [tilespmem:v18+s12+$0x0], $0xffff;
	v18 =	vor.u32 s29, v6;
	[tilespmem:s28+$0x10] =	vst v19  }
0xb3: {  	v19 =	vor.u32 s23, v5;
	v15 =	vld.idx.msk [tilespmem:v15+s12+$0x0], $0xffff  }
0xb4: {  	v20 =	vor.u32 s26, v3;
	[tilespmem:s28+$0xFFFFFF90] =	vst v11;
	v10 =	vld.idx.msk [tilespmem:v10+s12+$0x0], $0xffff  }
0xb5: {  	v23 =	vld.idx.msk [tilespmem:v13+s12+$0x0], $0xffff;
	[tilespmem:s24+$0x60] =	vst v9;
	v9 =	vor.u32 s11, v7  }
0xb6: {  	v21 =	vor.u32 s31, v2;
	s0 =	simm.s32 $0x8;
	[tilespmem:s22+$0x40] =	vst v16;
	v14 =	vld.idx.msk [tilespmem:v14+s12+$0x0], $0xffff  }
0xb7: {  	[tilespmem:s22+$0xFFFFFFB0] =	vst v12;
	v12 =	vor.u32 s0, v1;
	v18 =	vld.idx.msk [tilespmem:v18+s12+$0x0], $0xffff  }
0xb8: {  	v24 =	vor.u32 s30, v2;
	v11 =	vld.idx.msk [tilespmem:v19+s12+$0x0], $0xffff;
	[tilespmem:s28+$0x20] =	vst v15  }
0xb9: {  	s1 =	sadd.s32 $0x100, s28;
	[tilespmem:s24+$0xFFFFFFD0] =	vst v17;
	v17 =	vor.u32 s29, v7;
	v13 =	vld.idx.msk [tilespmem:v20+s12+$0x0], $0xffff  }
0xba: {  	v19 =	vor.u32 s25, v3;
	[tilespmem:s1+$0x0] =	vst v10;
	v10 =	vld.idx.msk [tilespmem:v9+s12+$0x0], $0xffff  }
0xbb: {  	[tilespmem:s1+$0xFFFFFF80] =	vst v22;
	v20 =	vor.u32 s26, v5;
	v16 =	vld.idx.msk [tilespmem:v21+s12+$0x0], $0xffff  }
0xbc: {  	v15 =	vor.u32 s23, v6;
	v9 =	vld.idx.msk [tilespmem:v12+s12+$0x0], $0xffff;
	[tilespmem:s24+$0x70] =	vst v14  }
0xbd: {  	s21 =	sshrl.u32 s21, $0x2;
	v12 =	vld.idx.msk [tilespmem:v24+s12+$0x0], $0xffff;
	[tilespmem:s22+$0x50] =	vst v18;
	v14 =	vor.u32 s31, v4  }
0xbe: {  	s2 =	simm.s32 $0x9;
	s5 =	simm.s32 $0xA;
	[tilespmem:s28+$0xFFFFFFA0] =	vst v23;
	v18 =	vld.idx.msk [tilespmem:v17+s12+$0x0], $0xffff;
	v17 =	vor.u32 s11, v8;
	s11 =	smov.u32 s1  }
.LBB2_12:
0xbf: {  	p1 =	slt.u32 s5, $0x1E;
	v21 =	vor.u32 s2, v1;
	v19 =	vld.idx.msk [tilespmem:v19+s12+$0x0], $0xffff;
	[tilespmem:s28+$0x30] =	vst v13;
	s7 =	smov.u32 s25;
	s25 =	smov.u32 s30  }
0xc0: {  	v13 =	vld.idx.msk [tilespmem:v20+s12+$0x0], $0xffff;
	[tilespmem:s22+$0xFFFFFFC0] =	vst v11;
	v11 =	vor.u32 s29, v8;
	s29 =	smov.u32 s26;
	s26 =	smov.u32 s31;
	s31 =	smov.u32 s2  }
0xc1: {  	s30 =	smov.u32 s0;
	s0 =	smov.u32 s5;
	v20 =	vor.u32 s25, v4;
	[tilespmem:s1+$0x10] =	vst v16;
	v15 =	vld.idx.msk [tilespmem:v15+s12+$0x0], $0xffff  }
0xc2: {  	v16 =	vor.u32 s29, v6;
	v14 =	vld.idx.msk [tilespmem:v14+s12+$0x0], $0xffff;
	[tilespmem:s24+$0xFFFFFFE0] =	vst v10  }
0xc3: {  	v10 =	vor.u32 s7, v5;
	[tilespmem:s1+$0xFFFFFF90] =	vst v12;
	v12 =	vld.idx.msk [tilespmem:v17+s12+$0x0], $0xffff  }
0xc4: {  	v17 =	vld.idx.msk [tilespmem:v21+s12+$0x0], $0xffff;
	v21 =	vor.u32 s26, v3;
	[tilespmem:s22+$0x60] =	vst v18  }
0xc5: {  	v18 =	vor.u32 s23, v7;
	[tilespmem:s28+$0xFFFFFFB0] =	vst v19;
	v22 =	vld.idx.msk [tilespmem:v11+s12+$0x0], $0xffff  }
0xc6: {  	v23 =	vor.u32 s31, v2;
	v24 =	vld.idx.msk [tilespmem:v20+s12+$0x0], $0xffff;
	[tilespmem:s28+$0x40] =	vst v13  }
0xc7: {  	v25 =	vor.u32 s5, v1;
	v26 =	vld.idx.msk [tilespmem:v16+s12+$0x0], $0xffff;
	[tilespmem:s22+$0xFFFFFFD0] =	vst v15  }
0xc8: {  	v27 =	vor.u32 s30, v2;
	[tilespmem:s1+$0x20] =	vst v14;
	v11 =	vld.idx.msk [tilespmem:v10+s12+$0x0], $0xffff  }
0xc9: {  	s1 =	sadd.s32 $0x100, s1;
	v13 =	vld.idx.msk [tilespmem:v21+s12+$0x0], $0xffff;
	v21 =	vor.u32 s29, v7;
	[tilespmem:s24+$0xFFFFFFF0] =	vst v12;
	s24 =	smov.u32 s22;
	s22 =	smov.u32 s28  }
.Ltmp6:
0xca: {  	v19 =	vor.u32 s25, v3;
	s28 =	smov.u32 s11;
	s11 =	smov.u32 s1;
	[tilespmem:s1+$0x0] =	vst v17;
	v10 =	vld.idx.msk [tilespmem:v18+s12+$0x0], $0xffff;
	(pc) =	sbr.rel @p1 .LBB2_12-.Ltmp6, $4  }
0xcb: {  	v20 =	vor.u32 s26, v5;
	v16 =	vld.idx.msk [tilespmem:v23+s12+$0x0], $0xffff;
	[tilespmem:s24+$0x70] =	vst v22  }
0xcc: {  	v15 =	vor.u32 s7, v6;
	[tilespmem:s1+$0xFFFFFF80] =	vst v9;
	v9 =	vld.idx.msk [tilespmem:v25+s12+$0x0], $0xffff  }
0xcd: {  	v14 =	vor.u32 s31, v4;
	v12 =	vld.idx.msk [tilespmem:v27+s12+$0x0], $0xffff;
	[tilespmem:s22+$0x50] =	vst v26  }
0xce: {  	s5 =	sadd.s32 $0x2, s5;
	s2 =	sadd.s32 $0x1, s0;
	v17 =	vor.u32 s23, v8;
	s23 =	smov.u32 s7;
	[tilespmem:s28+$0xFFFFFFA0] =	vst v24;
	v18 =	vld.idx.msk [tilespmem:v21+s12+$0x0], $0xffff  }
0xcf: {  	v1 =	vor.u32 s2, v1;
	_ =	sdelay $0x4  }
0xd0: {  	[tilespmem:s28+$0x30] =	vst v13;
	v30 =	vor.u32 s2, v2;
	v2 =	vor.u32 s0, v2;
	v1 =	vld.idx.msk [tilespmem:v1+s12+$0x0], $0xffff  }
0xd1: {  	[tilespmem:s22+$0xFFFFFFC0] =	vst v11  }
0xd2: {  	[tilespmem:s24+$0xFFFFFFE0] =	vst v10  }
0xd3: {  	v31 =	vld.idx.msk [tilespmem:v19+s12+$0x0], $0xffff;
	s5 =	sadd.s32 $0x100, s1;
	[tilespmem:s1+$0x10] =	vst v16  }
0xd4: {  	v32 =	vld.idx.msk [tilespmem:v20+s12+$0x0], $0xffff;
	[tilespmem:s5+$0xFFFFFF80] =	vst v9  }
0xd5: {  	v2 =	vld.idx.msk [tilespmem:v2+s12+$0x0], $0xffff;
	[tilespmem:s5+$0x0] =	vst v1;
	v1 =	vor.u32 s30, v4  }
0xd6: {  	v35 =	vor.u32 s0, v4;
	[tilespmem:s1+$0xFFFFFF90] =	vst v12;
	v13 =	vld.idx.msk [tilespmem:v30+s12+$0x0], $0xffff  }
0xd7: {  	v33 =	vor.u32 s2, v4;
	v34 =	vld.idx.msk [tilespmem:v15+s12+$0x0], $0xffff;
	[tilespmem:s22+$0x60] =	vst v18  }
0xd8: {  	v36 =	vor.u32 s29, v8;
	v38 =	vld.idx.msk [tilespmem:v17+s12+$0x0], $0xffff;
	[tilespmem:s28+$0xFFFFFFB0] =	vst v31  }
0xd9: {  	v42 =	vor.u32 s25, v5;
	v14 =	vld.idx.msk [tilespmem:v14+s12+$0x0], $0xffff;
	[tilespmem:s28+$0x40] =	vst v32  }
0xda: {  	v39 =	vor.u32 s31, v3;
	[tilespmem:s5+$0xFFFFFF90] =	vst v2;
	v1 =	vld.idx.msk [tilespmem:v1+s12+$0x0], $0xffff  }
0xdb: {  	v40 =	vor.u32 s30, v3;
	v4 =	vld.idx.msk [tilespmem:v35+s12+$0x0], $0xffff;
	[tilespmem:s5+$0x10] =	vst v13  }
0xdc: {  	[tilespmem:s22+$0xFFFFFFD0] =	vst v34;
	v2 =	vor.u32 s2, v3;
	v3 =	vor.u32 s0, v3;
	v9 =	vld.idx.msk [tilespmem:v33+s12+$0x0], $0xffff  }
0xdd: {  	v41 =	vld.idx.msk [tilespmem:v36+s12+$0x0], $0xffff;
	[tilespmem:s24+$0xFFFFFFF0] =	vst v38  }
0xde: {  	v37 =	vor.u32 s26, v6;
	v46 =	vld.idx.msk [tilespmem:v42+s12+$0x0], $0xffff;
	[tilespmem:s1+$0x20] =	vst v14  }
0xdf: {  	v43 =	vor.u32 s23, v7;
	v10 =	vld.idx.msk [tilespmem:v39+s12+$0x0], $0xffff;
	[tilespmem:s11+$0xFFFFFFA0] =	vst v1  }
0xe0: {  	[tilespmem:s5+$0xFFFFFFA0] =	vst v4;
	v1 =	vor.u32 s31, v5;
	v13 =	vld.idx.msk [tilespmem:v40+s12+$0x0], $0xffff  }
0xe1: {  	v44 =	vor.u32 s30, v5;
	v3 =	vld.idx.msk [tilespmem:v3+s12+$0x0], $0xffff;
	[tilespmem:s5+$0x20] =	vst v9  }
0xe2: {  	v47 =	vor.u32 s0, v5;
	[tilespmem:s22+$0x70] =	vst v41;
	v2 =	vld.idx.msk [tilespmem:v2+s12+$0x0], $0xffff  }
0xe3: {  	v45 =	vor.u32 s2, v5;
	v11 =	vld.idx.msk [tilespmem:v37+s12+$0x0], $0xffff;
	[tilespmem:s28+$0xFFFFFFC0] =	vst v46  }
0xe4: {  	v50 =	vor.u32 s25, v6;
	v49 =	vld.idx.msk [tilespmem:v43+s12+$0x0], $0xffff;
	[tilespmem:s11+$0x30] =	vst v10  }
0xe5: {  	v48 =	vor.u32 s26, v7;
	v1 =	vld.idx.msk [tilespmem:v1+s12+$0x0], $0xffff;
	[tilespmem:s11+$0xFFFFFFB0] =	vst v13  }
0xe6: {  	v51 =	vor.u32 s31, v6;
	[tilespmem:s5+$0xFFFFFFB0] =	vst v3;
	v9 =	vld.idx.msk [tilespmem:v44+s12+$0x0], $0xffff  }
0xe7: {  	v5 =	vld.idx.msk [tilespmem:v47+s12+$0x0], $0xffff;
	[tilespmem:s5+$0x30] =	vst v2;
	v2 =	vor.u32 s30, v6  }
0xe8: {  	v52 =	vor.u32 s0, v6;
	[tilespmem:s28+$0x50] =	vst v11;
	v4 =	vld.idx.msk [tilespmem:v45+s12+$0x0], $0xffff  }
0xe9: {  	[tilespmem:s22+$0xFFFFFFE0] =	vst v49;
	v10 =	vld.idx.msk [tilespmem:v50+s12+$0x0], $0xffff;
	v3 =	vor.u32 s2, v6  }
0xea: {  	v11 =	vld.idx.msk [tilespmem:v48+s12+$0x0], $0xffff;
	[tilespmem:s11+$0x40] =	vst v1;
	v1 =	vor.u32 s25, v7  }
0xeb: {  	v53 =	vor.u32 s23, v8;
	v13 =	vld.idx.msk [tilespmem:v51+s12+$0x0], $0xffff;
	[tilespmem:s11+$0xFFFFFFC0] =	vst v9  }
0xec: {  	v54 =	vor.u32 s31, v7;
	[tilespmem:s5+$0xFFFFFFC0] =	vst v5;
	v2 =	vld.idx.msk [tilespmem:v2+s12+$0x0], $0xffff  }
0xed: {  	v55 =	vor.u32 s30, v7;
	v6 =	vld.idx.msk [tilespmem:v52+s12+$0x0], $0xffff;
	[tilespmem:s5+$0x40] =	vst v4  }
0xee: {  	v58 =	vor.u32 s0, v7;
	[tilespmem:s28+$0xFFFFFFD0] =	vst v10;
	v3 =	vld.idx.msk [tilespmem:v3+s12+$0x0], $0xffff  }
0xef: {  	v56 =	vor.u32 s2, v7;
	[tilespmem:s28+$0x60] =	vst v11;
	v1 =	vld.idx.msk [tilespmem:v1+s12+$0x0], $0xffff  }
0xf0: {  	v59 =	vor.u32 s26, v8;
	v57 =	vld.idx.msk [tilespmem:v53+s12+$0x0], $0xffff;
	[tilespmem:s11+$0x50] =	vst v13  }
0xf1: {  	v60 =	vor.u32 s25, v8;
	v9 =	vld.idx.msk [tilespmem:v54+s12+$0x0], $0xffff;
	[tilespmem:s11+$0xFFFFFFD0] =	vst v2  }
0xf2: {  	[tilespmem:s5+$0xFFFFFFD0] =	vst v6;
	v2 =	vor.u32 s31, v8;
	v4 =	vld.idx.msk [tilespmem:v55+s12+$0x0], $0xffff  }
0xf3: {  	v61 =	vor.u32 s30, v8;
	v7 =	vld.idx.msk [tilespmem:v58+s12+$0x0], $0xffff;
	[tilespmem:s5+$0x50] =	vst v3  }
0xf4: {  	[tilespmem:s28+$0xFFFFFFE0] =	vst v1;
	v1 =	vor.u32 s0, v8;
	v3 =	vld.idx.msk [tilespmem:v56+s12+$0x0], $0xffff  }
0xf5: {  	v62 =	vor.u32 s2, v8;
	[tilespmem:s22+$0xFFFFFFF0] =	vst v57;
	v10 =	vld.idx.msk [tilespmem:v59+s12+$0x0], $0xffff  }
0xf6: {  	v63 =	vld.idx.msk [tilespmem:v60+s12+$0x0], $0xffff;
	[tilespmem:s11+$0x60] =	vst v9  }
0xf7: {  	v2 =	vld.idx.msk [tilespmem:v2+s12+$0x0], $0xffff;
	[tilespmem:s11+$0xFFFFFFE0] =	vst v4  }
0xf8: {  	[tilespmem:s5+$0xFFFFFFE0] =	vst v7;
	v4 =	vld.idx.msk [tilespmem:v61+s12+$0x0], $0xffff  }
0xf9: {  	v1 =	vld.idx.msk [tilespmem:v1+s12+$0x0], $0xffff;
	[tilespmem:s5+$0x60] =	vst v3  }
0xfa: {  	[tilespmem:s28+$0x70] =	vst v10;
	v3 =	vld.idx.msk [tilespmem:v62+s12+$0x0], $0xffff  }
0xfb: {  	p1 =	sne.s32 s18, $0x190;
	[tilespmem:s28+$0xFFFFFFF0] =	vst v63  }
.Ltmp7:
0xfc: {  	[tilespmem:s11+$0x70] =	vst v2;
	(pc) =	sbr.rel @p1 .LBB2_4-.Ltmp7, $4  }
0xfd: {  	s29 =	sshll.u32 s21, $0x10;
	s17 =	sadd.s32 $0x1, s17;
	p0 =	por !p0, !p0;
	[tilespmem:s11+$0xFFFFFFF0] =	vst v4  }
0xfe: {  	s21 =	smov.u32 s18;
	s30 =	sshll.u32 s19, $0xC;
	s0 =	sadd.s32 s29, s6;
	[tilespmem:s5+$0xFFFFFFF0] =	vst v1  }
0xff: {  	s1 =	sor.u32 $0x8C00, s30;
	s31 =	sadd.s32 $0x5, s19;
	s0 =	sadd.s32 s20, s0;
	[tilespmem:s5+$0x70] =	vst v3  }
0x100: {  	[hbm4b:s0+s9] =	stream.strided.scatter [tilespmem:s1], [sflag:s31], $0x1000, s13, s9, $0x38;
	[tilespmem:$0xAC00] =	vst v63  }
0x101: {  	_ =	swait.ge [sflag:s14], $0x1000  }
0x102: {  	[sflag:s14] =	ssyncset.done $0x0  }
0x103: {  	[sflag:s14] =	ssyncadd.s32 $0xFFFFF000  }
0x104: {  	_ =	swait.ge [sflag:s15], $0x1000  }
0x105: {  	s16 =	sadd.s32 $0x1, s16;
	s0 =	rddreg [dreg:$0x5]  }
0x106: {  	p0 =	sne.s32 s16, s0  }
.Ltmp8:
0x107: {  	_ = 	snop;
	(pc) =	sbr.rel @p0 .LBB2_1-.Ltmp8, $3  }
0x108: {  	_ =	sdelay $0x1  }
0x109: {  	[sflag:s15] =	ssyncset.done $0x0  }
0x10a: {  	[sflag:s15] =	ssyncadd.s32 $0xFFFFF000  }
0x10b: {  	_ =	sfence.sel $0x180000  }
0x10c: {  	[bflag:$0x0] =	sbarrier.arrive $0xFFFF  }
0x10d: {  	_ =	strace $0x90000047  }
0x10e: {  	s0 =	stileid.u32;
	[bflag:$0x2] =	sbarrier.arrive $0xFFFF  }
0x10f: {  	p0 =	sne.s32 s0, $0x0;
	s0 =	rddreg [dreg:$0x3]  }
0x110: {  	s0 =	sadd.s32 @!p0 $0x100000, s0  }
0x111: {  	[sflag:s0] =	ssyncadd.tile.s32 @!p0 $0x1;
	_ =	shalt  }
.Lfunc_end2:
_tile_overlayer_lowered:
.L_overlay_start_2:
0x112: {  	(tag) =	ssettag $0x2  }
0x113: {  	s0 =	rddreg [dreg:$0x0];
	s2 =	stileid.u32  }
0x114: {  	s1 =	rddreg [dreg:$0x1];
	p0 =	sne.s32 s2, $0x0  }
0x115: {  	s3 =	rddreg [dreg:$0x2];
	[bflag:$0x3] =	sbarrier.arrive $0xFFFF;
	s2 =	simm.s32 @!p0 $0x1C07  }
0x116: {  	[timem:s3], [sflag:s2] =	dma.local @!p0 [hbm:s0], s1  }
0x117: {  	s0 =	simm.s32 @!p0 $0x7  }
0x118: {  	_ =	swait.ge @!p0 [sflag:s0], s1  }
0x119: {  	s1 =	ssub.s32 @!p0 $0x0, s1;
	[sflag:s0] =	ssyncset.done @!p0 $0x0  }
0x11a: {  	[sflag:s0] =	ssyncadd.s32 @!p0 s1  }
0x11b: {  	[bflag:$0x3] =	sbarrier.arrive $0xFFFF  }
0x11c: {  	_ =	shalt  }

</sc_bundles>
